<compile_context>
chip_gen: v7x
topology: tpu7x:2x2x1
jax: 0.10.2.dev20260603
libtpu: 0.0.44.dev20260713+nightly
codegen_flags: <defaults>
</compile_context>

<pallas_src>
import functools

import jax
import jax.numpy as jnp
from jax import lax
from jax.experimental import pallas as pl
from jax.experimental.pallas import tpu as pltpu
from jax.experimental.pallas import tpu_sc as plsc

_NEG_BIG = -1e30


def _gate_tc_body(x_ref, wcat_ref, b1c_ref, w2c_ref, gate_ref, y_ref, *, bn, n_valid):
    i = pl.program_id(0)
    xb = x_ref[...]
    hy = jnp.dot(xb, wcat_ref[...], preferred_element_type=jnp.float32)
    hyT = hy.T
    h = jnp.maximum(hyT + b1c_ref[...], 0.0)
    gate = jnp.sum(h * w2c_ref[...], axis=0, keepdims=True)
    y = hyT[16:17, :]
    cols = i * bn + lax.broadcasted_iota(jnp.int32, (1, bn), 1)
    valid = cols < n_valid
    gate = jnp.where(valid, gate, _NEG_BIG)
    gate_ref[...] = jnp.reshape(gate, (bn,))
    y_ref[...] = jnp.reshape(jnp.where(valid, y, 0.0), (bn,))


def _seg_sc_body(gate_hbm, y_hbm, ids_hbm, den_hbm, num_hbm,
                 gate_v, y_v, ids_v, den_v, num_v,
                 sem1, sem2, sem3,
                 *, ch, nsub, g, unroll):
    nv = ch // 16
    c = lax.axis_index("c")
    s = lax.axis_index("s")
    wid = c * nsub + s
    base = wid * ch

    h1 = pltpu.async_copy(gate_hbm.at[pl.ds(base, ch)], gate_v, sem1)
    h2 = pltpu.async_copy(y_hbm.at[pl.ds(base, ch)], y_v, sem2)
    h3 = pltpu.async_copy(ids_hbm.at[pl.ds(base, ch)], ids_v, sem3)

    zz = jnp.zeros((16,), jnp.float32)

    def z_body(l, carry):
        def z_inner(k, carry2):
            den_v[l, pl.ds(k * 16, 16)] = zz
            num_v[l, pl.ds(k * 16, 16)] = zz
            return carry2

        return lax.fori_loop(0, g // 16, z_inner, carry)

    lax.fori_loop(0, 16, z_body, 0)
    h1.wait()
    h2.wait()
    h3.wait()

    lane = lax.iota(jnp.int32, 16)

    def acc_body(j, carry):
        for u in range(unroll):
            off = (j * unroll + u) * 16
            gv = gate_v[pl.ds(off, 16)]
            yv = y_v[pl.ds(off, 16)]
            iv = ids_v[pl.ds(off, 16)]
            e = jnp.exp(gv)
            plsc.addupdate_scatter(den_v, [lane, iv], e)
            plsc.addupdate_scatter(num_v, [lane, iv], e * yv)
        return carry

    lax.fori_loop(0, nv // unroll, acc_body, 0)

    pltpu.sync_copy(den_v, den_hbm.at[pl.ds(wid * 16, 16)])
    pltpu.sync_copy(num_v, num_hbm.at[pl.ds(wid * 16, 16)])


def _fin_tc_body(den_ref, num_ref, bb_ref, out_ref, *, g):
    den = jnp.sum(den_ref[...], axis=0, keepdims=True)[:, :g]
    num = jnp.sum(num_ref[...], axis=0, keepdims=True)[:, :g]
    out_ref[...] = num / (den + 1e-16) + bb_ref[...]


def kernel(x, batch, W1, b1, W2, b2, Wout, bout):
    n, cdim = x.shape
    hdim = W1.shape[1]
    g = 512
    nsub = 16
    nw = 2 * nsub
    bn = 7168
    nb = pl.cdiv(n, bn)
    n_pad = nb * bn
    assert n_pad % (nw * 16) == 0
    ch = n_pad // nw

    f32 = jnp.float32

    wcat = jnp.zeros((cdim, 32), f32)
    wcat = wcat.at[:, :hdim].set(W1)
    wcat = wcat.at[:, 16].set(Wout[:, 0])
    b1c = jnp.zeros((32, 1), f32).at[:hdim, 0].set(b1)
    w2c = jnp.zeros((32, 1), f32).at[:hdim, 0].set(W2[:, 0])

    tc_outs = pl.pallas_call(
        functools.partial(_gate_tc_body, bn=bn, n_valid=n),
        grid=(nb,),
        in_specs=[
            pl.BlockSpec((bn, cdim), lambda i: (i, 0)),
            pl.BlockSpec((cdim, 32), lambda i: (0, 0)),
            pl.BlockSpec((32, 1), lambda i: (0, 0)),
            pl.BlockSpec((32, 1), lambda i: (0, 0)),
        ],
        out_specs=[
            pl.BlockSpec((bn,), lambda i: (i,)),
            pl.BlockSpec((bn,), lambda i: (i,)),
        ],
        out_shape=[
            jax.ShapeDtypeStruct((n_pad,), f32),
            jax.ShapeDtypeStruct((n_pad,), f32),
        ],
    )(x, wcat, b1c, w2c)

    gate1d, y1d = tc_outs
    ids = jnp.pad(batch.astype(jnp.int32), (0, n_pad - n), constant_values=g - 1)

    mesh = plsc.VectorSubcoreMesh(core_axis_name="c", subcore_axis_name="s")
    gp = g + 1
    sc_fn = functools.partial(
        pl.kernel,
        mesh=mesh,
        compiler_params=pltpu.CompilerParams(needs_layout_passes=False),
        out_type=(
            jax.ShapeDtypeStruct((nw * 16, gp), f32),
            jax.ShapeDtypeStruct((nw * 16, gp), f32),
        ),
        scratch_types=[
            pltpu.VMEM((ch,), f32),
            pltpu.VMEM((ch,), f32),
            pltpu.VMEM((ch,), jnp.int32),
            pltpu.VMEM((16, gp), f32),
            pltpu.VMEM((16, gp), f32),
            pltpu.SemaphoreType.DMA,
            pltpu.SemaphoreType.DMA,
            pltpu.SemaphoreType.DMA,
        ],
    )(functools.partial(_seg_sc_body, ch=ch, nsub=nsub, g=g, unroll=14))

    den_parts, num_parts = sc_fn(gate1d, y1d, ids)

    bb = bout.astype(f32).reshape(1, 1)
    out = pl.pallas_call(
        functools.partial(_fin_tc_body, g=g),
        out_shape=jax.ShapeDtypeStruct((1, g), f32),
    )(den_parts, num_parts, bb)
    return out.reshape(g, 1)

# --- scband reference (transcript-rebuilt; emitter-appended) ---
"""Pipeline reference for scband-gate-attentional-19920058318951 (READ-ONLY COPY).

The authoritative reference and input builder live on the scoring server;
editing this copy changes nothing except your own understanding.
"""

import jax, jax.numpy as jnp
import numpy as np

NUM_NODES = 100000
IN_CHANNELS = 256
HIDDEN = 16
NUM_GRAPHS = 512


def setup_inputs(seed: int = 0) -> dict:
    key = jax.random.key(seed)
    k_x, k_b, k1, k2, k3, k4, k5, k6 = jax.random.split(key, 8)
    x = jax.random.normal(k_x, (NUM_NODES, IN_CHANNELS), dtype=jnp.float32)
    batch = jnp.sort(jax.random.randint(k_b, (NUM_NODES,), 0, NUM_GRAPHS, dtype=jnp.int64))
    s1 = 1.0 / np.sqrt(IN_CHANNELS)
    s2 = 1.0 / np.sqrt(HIDDEN)
    W1 = jax.random.uniform(k1, (IN_CHANNELS, HIDDEN), jnp.float32, -s1, s1)
    b1 = jax.random.uniform(k2, (HIDDEN,), jnp.float32, -s1, s1)
    W2 = jax.random.uniform(k3, (HIDDEN, 1), jnp.float32, -s2, s2)
    b2 = jax.random.uniform(k4, (1,), jnp.float32, -s2, s2)
    Wout = jax.random.uniform(k5, (IN_CHANNELS, 1), jnp.float32, -s1, s1)
    bout = jax.random.uniform(k6, (1,), jnp.float32, -s1, s1)
    return {"x": x, "batch": batch, "W1": W1, "b1": b1, "W2": W2, "b2": b2, "Wout": Wout, "bout": bout}


def reference(x, batch, W1, b1, W2, b2, Wout, bout):
    # gate_nn: MLP 256 -> 16 -> 1 with relu between layers
    h = jnp.maximum(x @ W1 + b1, 0.0)
    gate = (h @ W2 + b2).squeeze(-1)  # [N]
    # segment softmax over batch ids (numerically stable)
    seg_max = jax.ops.segment_max(gate, batch, num_segments=NUM_GRAPHS)
    seg_max = jnp.where(jnp.isfinite(seg_max), seg_max, 0.0)
    e = jnp.exp(gate - seg_max[batch])
    denom = jax.ops.segment_sum(e, batch, num_segments=NUM_GRAPHS)
    alpha = e / (denom[batch] + 1e-16)  # [N]
    # attention-weighted segment sum
    aggregated = jax.ops.segment_sum(x * alpha[:, None], batch, num_segments=NUM_GRAPHS)  # [G, C]
    # out_layer: Linear(in_channels, 1)
    return aggregated @ Wout + bout  # [G, 1]

if __name__ == "__main__":
    import jax
    _d = setup_inputs()
    print(jax.jit(kernel)(*tuple(_d.values())))

</pallas_src>

<mosaic_0001>
#map = affine_map<(d0, d1) -> (0)>
#map1 = affine_map<(d0, d1) -> (0, 0)>
module attributes {stable_mosaic.version = 14 : i64} {
  func.func @_seg_sc_body(%arg0: i32, %arg1: i32, %arg2: memref<100352xf32, #tpu.memory_space<hbm>>, %arg3: memref<100352xf32, #tpu.memory_space<hbm>>, %arg4: memref<100352xi32, #tpu.memory_space<hbm>>, %arg5: memref<512x513xf32, #tpu.memory_space<hbm>>, %arg6: memref<512x513xf32, #tpu.memory_space<hbm>>, %arg7: memref<3136xf32, #tpu.memory_space<vmem>>, %arg8: memref<3136xf32, #tpu.memory_space<vmem>>, %arg9: memref<3136xi32, #tpu.memory_space<vmem>>, %arg10: memref<16x513xf32, #tpu.memory_space<vmem>>, %arg11: memref<16x513xf32, #tpu.memory_space<vmem>>, %arg12: memref<!tpu.dma_semaphore, #tpu.memory_space<semaphore_mem>>, %arg13: memref<!tpu.dma_semaphore, #tpu.memory_space<semaphore_mem>>, %arg14: memref<!tpu.dma_semaphore, #tpu.memory_space<semaphore_mem>>) attributes {dimension_semantics = [#tpu.dimension_semantics<core_parallel>, #tpu.dimension_semantics<subcore_parallel>], iteration_bounds = array<i64: 2, 16>, scalar_prefetch = 0 : i64, scratch_operands = 8 : i64, tpu.core_type = #tpu.core_type<sc_vector_subcore>, window_params = [{transform_indices = #map}, {transform_indices = #map}, {transform_indices = #map}, {transform_indices = #map1}, {transform_indices = #map1}]} {
    %mul3A = arith.constant 16 : i32
    %mul3A_0 = arith.muli %arg0, %mul3A : i32
    %add3A = arith.addi %mul3A_0, %arg1 : i32
    %mul3A_1 = arith.constant 3136 : i32
    %mul3A_2 = arith.muli %add3A, %mul3A_1 : i32
    %dma_start3A = tpu.memref_slice %arg2[%mul3A_2] : memref<100352xf32, #tpu.memory_space<hbm>> -> memref<3136xf32, #tpu.memory_space<hbm>>
    %dma_start3A_3 = tpu.memref_slice %arg2[%mul3A_2] : memref<100352xf32, #tpu.memory_space<hbm>> -> memref<3136xf32, #tpu.memory_space<hbm>>
    tpu.enqueue_dma source(%dma_start3A_3 : memref<3136xf32, #tpu.memory_space<hbm>>) target(%arg7 : memref<3136xf32, #tpu.memory_space<vmem>>) target_semaphore(%arg12 : memref<!tpu.dma_semaphore, #tpu.memory_space<semaphore_mem>>)
    %dma_start3A_4 = tpu.memref_slice %arg3[%mul3A_2] : memref<100352xf32, #tpu.memory_space<hbm>> -> memref<3136xf32, #tpu.memory_space<hbm>>
    %dma_start3A_5 = tpu.memref_slice %arg3[%mul3A_2] : memref<100352xf32, #tpu.memory_space<hbm>> -> memref<3136xf32, #tpu.memory_space<hbm>>
    tpu.enqueue_dma source(%dma_start3A_5 : memref<3136xf32, #tpu.memory_space<hbm>>) target(%arg8 : memref<3136xf32, #tpu.memory_space<vmem>>) target_semaphore(%arg13 : memref<!tpu.dma_semaphore, #tpu.memory_space<semaphore_mem>>)
    %dma_start3A_6 = tpu.memref_slice %arg4[%mul3A_2] : memref<100352xi32, #tpu.memory_space<hbm>> -> memref<3136xi32, #tpu.memory_space<hbm>>
    %dma_start3A_7 = tpu.memref_slice %arg4[%mul3A_2] : memref<100352xi32, #tpu.memory_space<hbm>> -> memref<3136xi32, #tpu.memory_space<hbm>>
    tpu.enqueue_dma source(%dma_start3A_7 : memref<3136xi32, #tpu.memory_space<hbm>>) target(%arg9 : memref<3136xi32, #tpu.memory_space<vmem>>) target_semaphore(%arg14 : memref<!tpu.dma_semaphore, #tpu.memory_space<semaphore_mem>>)
    %broadcast_in_dim3A = arith.constant 0.000000e+00 : f32
    %broadcast_in_dim3A_8 = vector.broadcast %broadcast_in_dim3A : f32 to vector<16xf32>
    %scan3A = arith.constant 0 : i32
    %scan3A_9 = arith.constant 0 : i32
    %scan3A_10 = arith.constant 16 : i32
    %scan3A_11 = arith.addi %scan3A_9, %scan3A_10 : i32
    %scan3A_12 = arith.constant 1 : i32
    scf.for %scan3A_29 = %scan3A_9 to %scan3A_11 step %scan3A_12  : i32 {
      %scan3A_30 = arith.constant 0 : i32
      %scan3A_31 = arith.constant 32 : i32
      %scan3A_32 = arith.addi %scan3A_30, %scan3A_31 : i32
      %scan3A_33 = arith.constant 1 : i32
      scf.for %scan3A_35 = %scan3A_30 to %scan3A_32 step %scan3A_33  : i32 {
        %mul3A_36 = arith.constant 16 : i32
        %mul3A_37 = arith.muli %scan3A_35, %mul3A_36 : i32
        %swap3A = arith.index_cast %scan3A_29 : i32 to index
        %swap3A_38 = arith.index_cast %mul3A_37 : i32 to index
        %swap3A_39 = tpu.vector_load %arg10[%swap3A, %swap3A_38] {strides = array<i32>} : memref<16x513xf32, #tpu.memory_space<vmem>>, vector<16xf32>,
        tpu.vector_store %arg10[%swap3A, %swap3A_38], %broadcast_in_dim3A_8 {strides = array<i32>} : memref<16x513xf32, #tpu.memory_space<vmem>>, vector<16xf32>,
        %mul3A_40 = arith.constant 16 : i32
        %mul3A_41 = arith.muli %scan3A_35, %mul3A_40 : i32
        %swap3A_42 = arith.index_cast %scan3A_29 : i32 to index
        %swap3A_43 = arith.index_cast %mul3A_41 : i32 to index
        %swap3A_44 = tpu.vector_load %arg11[%swap3A_42, %swap3A_43] {strides = array<i32>} : memref<16x513xf32, #tpu.memory_space<vmem>>, vector<16xf32>,
        tpu.vector_store %arg11[%swap3A_42, %swap3A_43], %broadcast_in_dim3A_8 {strides = array<i32>} : memref<16x513xf32, #tpu.memory_space<vmem>>, vector<16xf32>,
      }
      %scan3A_34 = arith.constant 32 : i32
    }
    %scan3A_13 = arith.constant 16 : i32
    %dma_wait3A = tpu.memref_slice %arg2[%mul3A_2] : memref<100352xf32, #tpu.memory_space<hbm>> -> memref<3136xf32, #tpu.memory_space<hbm>>
    %dma_wait3A_14 = tpu.memref_slice %arg2[%mul3A_2] : memref<100352xf32, #tpu.memory_space<hbm>> -> memref<3136xf32, #tpu.memory_space<hbm>>
    tpu.wait_dma2 semaphore(%arg12 : memref<!tpu.dma_semaphore, #tpu.memory_space<semaphore_mem>>) src(%dma_wait3A_14 : memref<3136xf32, #tpu.memory_space<hbm>>) dst(%arg7 : memref<3136xf32, #tpu.memory_space<vmem>>)
    %dma_wait3A_15 = tpu.memref_slice %arg3[%mul3A_2] : memref<100352xf32, #tpu.memory_space<hbm>> -> memref<3136xf32, #tpu.memory_space<hbm>>
    %dma_wait3A_16 = tpu.memref_slice %arg3[%mul3A_2] : memref<100352xf32, #tpu.memory_space<hbm>> -> memref<3136xf32, #tpu.memory_space<hbm>>
    tpu.wait_dma2 semaphore(%arg13 : memref<!tpu.dma_semaphore, #tpu.memory_space<semaphore_mem>>) src(%dma_wait3A_16 : memref<3136xf32, #tpu.memory_space<hbm>>) dst(%arg8 : memref<3136xf32, #tpu.memory_space<vmem>>)
    %dma_wait3A_17 = tpu.memref_slice %arg4[%mul3A_2] : memref<100352xi32, #tpu.memory_space<hbm>> -> memref<3136xi32, #tpu.memory_space<hbm>>
    %dma_wait3A_18 = tpu.memref_slice %arg4[%mul3A_2] : memref<100352xi32, #tpu.memory_space<hbm>> -> memref<3136xi32, #tpu.memory_space<hbm>>
    tpu.wait_dma2 semaphore(%arg14 : memref<!tpu.dma_semaphore, #tpu.memory_space<semaphore_mem>>) src(%dma_wait3A_18 : memref<3136xi32, #tpu.memory_space<hbm>>) dst(%arg9 : memref<3136xi32, #tpu.memory_space<vmem>>)
    %iota3A = tpu.iota {dimensions = array<i32: 0>} : vector<16xi32>
    %scan3A_19 = arith.constant 0 : i32
    %scan3A_20 = arith.constant 0 : i32
    %scan3A_21 = arith.constant 14 : i32
    %scan3A_22 = arith.addi %scan3A_20, %scan3A_21 : i32
    %scan3A_23 = arith.constant 1 : i32
    scf.for %scan3A_29 = %scan3A_20 to %scan3A_22 step %scan3A_23  : i32 {
      %mul3A_30 = arith.constant 14 : i32
      %mul3A_31 = arith.muli %scan3A_29, %mul3A_30 : i32
      %add3A_32 = arith.constant 0 : i32
      %add3A_33 = arith.addi %mul3A_31, %add3A_32 : i32
      %mul3A_34 = arith.constant 16 : i32
      %mul3A_35 = arith.muli %add3A_33, %mul3A_34 : i32
      %get3A = arith.index_cast %mul3A_35 : i32 to index
      %get3A_36 = tpu.vector_load %arg7[%get3A] {strides = array<i32>} : memref<3136xf32, #tpu.memory_space<vmem>>, vector<16xf32>,
      %get3A_37 = arith.index_cast %mul3A_35 : i32 to index
      %get3A_38 = tpu.vector_load %arg8[%get3A_37] {strides = array<i32>} : memref<3136xf32, #tpu.memory_space<vmem>>, vector<16xf32>,
      %get3A_39 = arith.index_cast %mul3A_35 : i32 to index
      %get3A_40 = tpu.vector_load %arg9[%get3A_39] {strides = array<i32>} : memref<3136xi32, #tpu.memory_space<vmem>>, vector<16xi32>,
      %exp3A = math.exp %get3A_36 : vector<16xf32>
      tpu.vector_store_idx %arg10[%iota3A, %get3A_40], %exp3A {add = true} : memref<16x513xf32, #tpu.memory_space<vmem>>[vector<16xi32>, vector<16xi32>], vector<16xf32>,
      %mul3A_41 = arith.mulf %exp3A, %get3A_38 : vector<16xf32>
      tpu.vector_store_idx %arg11[%iota3A, %get3A_40], %mul3A_41 {add = true} : memref<16x513xf32, #tpu.memory_space<vmem>>[vector<16xi32>, vector<16xi32>], vector<16xf32>,
      %mul3A_42 = arith.constant 14 : i32
      %mul3A_43 = arith.muli %scan3A_29, %mul3A_42 : i32
      %add3A_44 = arith.constant 1 : i32
      %add3A_45 = arith.addi %mul3A_43, %add3A_44 : i32
      %mul3A_46 = arith.constant 16 : i32
      %mul3A_47 = arith.muli %add3A_45, %mul3A_46 : i32
      %get3A_48 = arith.index_cast %mul3A_47 : i32 to index
      %get3A_49 = tpu.vector_load %arg7[%get3A_48] {strides = array<i32>} : memref<3136xf32, #tpu.memory_space<vmem>>, vector<16xf32>,
      %get3A_50 = arith.index_cast %mul3A_47 : i32 to index
      %get3A_51 = tpu.vector_load %arg8[%get3A_50] {strides = array<i32>} : memref<3136xf32, #tpu.memory_space<vmem>>, vector<16xf32>,
      %get3A_52 = arith.index_cast %mul3A_47 : i32 to index
      %get3A_53 = tpu.vector_load %arg9[%get3A_52] {strides = array<i32>} : memref<3136xi32, #tpu.memory_space<vmem>>, vector<16xi32>,
      %exp3A_54 = math.exp %get3A_49 : vector<16xf32>
      tpu.vector_store_idx %arg10[%iota3A, %get3A_53], %exp3A_54 {add = true} : memref<16x513xf32, #tpu.memory_space<vmem>>[vector<16xi32>, vector<16xi32>], vector<16xf32>,
      %mul3A_55 = arith.mulf %exp3A_54, %get3A_51 : vector<16xf32>
      tpu.vector_store_idx %arg11[%iota3A, %get3A_53], %mul3A_55 {add = true} : memref<16x513xf32, #tpu.memory_space<vmem>>[vector<16xi32>, vector<16xi32>], vector<16xf32>,
      %mul3A_56 = arith.constant 14 : i32
      %mul3A_57 = arith.muli %scan3A_29, %mul3A_56 : i32
      %add3A_58 = arith.constant 2 : i32
      %add3A_59 = arith.addi %mul3A_57, %add3A_58 : i32
      %mul3A_60 = arith.constant 16 : i32
      %mul3A_61 = arith.muli %add3A_59, %mul3A_60 : i32
      %get3A_62 = arith.index_cast %mul3A_61 : i32 to index
      %get3A_63 = tpu.vector_load %arg7[%get3A_62] {strides = array<i32>} : memref<3136xf32, #tpu.memory_space<vmem>>, vector<16xf32>,
      %get3A_64 = arith.index_cast %mul3A_61 : i32 to index
      %get3A_65 = tpu.vector_load %arg8[%get3A_64] {strides = array<i32>} : memref<3136xf32, #tpu.memory_space<vmem>>, vector<16xf32>,
      %get3A_66 = arith.index_cast %mul3A_61 : i32 to index
      %get3A_67 = tpu.vector_load %arg9[%get3A_66] {strides = array<i32>} : memref<3136xi32, #tpu.memory_space<vmem>>, vector<16xi32>,
      %exp3A_68 = math.exp %get3A_63 : vector<16xf32>
      tpu.vector_store_idx %arg10[%iota3A, %get3A_67], %exp3A_68 {add = true} : memref<16x513xf32, #tpu.memory_space<vmem>>[vector<16xi32>, vector<16xi32>], vector<16xf32>,
      %mul3A_69 = arith.mulf %exp3A_68, %get3A_65 : vector<16xf32>
      tpu.vector_store_idx %arg11[%iota3A, %get3A_67], %mul3A_69 {add = true} : memref<16x513xf32, #tpu.memory_space<vmem>>[vector<16xi32>, vector<16xi32>], vector<16xf32>,
      %mul3A_70 = arith.constant 14 : i32
      %mul3A_71 = arith.muli %scan3A_29, %mul3A_70 : i32
      %add3A_72 = arith.constant 3 : i32
      %add3A_73 = arith.addi %mul3A_71, %add3A_72 : i32
      %mul3A_74 = arith.constant 16 : i32
      %mul3A_75 = arith.muli %add3A_73, %mul3A_74 : i32
      %get3A_76 = arith.index_cast %mul3A_75 : i32 to index
      %get3A_77 = tpu.vector_load %arg7[%get3A_76] {strides = array<i32>} : memref<3136xf32, #tpu.memory_space<vmem>>, vector<16xf32>,
      %get3A_78 = arith.index_cast %mul3A_75 : i32 to index
      %get3A_79 = tpu.vector_load %arg8[%get3A_78] {strides = array<i32>} : memref<3136xf32, #tpu.memory_space<vmem>>, vector<16xf32>,
      %get3A_80 = arith.index_cast %mul3A_75 : i32 to index
      %get3A_81 = tpu.vector_load %arg9[%get3A_80] {strides = array<i32>} : memref<3136xi32, #tpu.memory_space<vmem>>, vector<16xi32>,
      %exp3A_82 = math.exp %get3A_77 : vector<16xf32>
      tpu.vector_store_idx %arg10[%iota3A, %get3A_81], %exp3A_82 {add = true} : memref<16x513xf32, #tpu.memory_space<vmem>>[vector<16xi32>, vector<16xi32>], vector<16xf32>,
      %mul3A_83 = arith.mulf %exp3A_82, %get3A_79 : vector<16xf32>
      tpu.vector_store_idx %arg11[%iota3A, %get3A_81], %mul3A_83 {add = true} : memref<16x513xf32, #tpu.memory_space<vmem>>[vector<16xi32>, vector<16xi32>], vector<16xf32>,
      %mul3A_84 = arith.constant 14 : i32
      %mul3A_85 = arith.muli %scan3A_29, %mul3A_84 : i32
      %add3A_86 = arith.constant 4 : i32
      %add3A_87 = arith.addi %mul3A_85, %add3A_86 : i32
      %mul3A_88 = arith.constant 16 : i32
      %mul3A_89 = arith.muli %add3A_87, %mul3A_88 : i32
      %get3A_90 = arith.index_cast %mul3A_89 : i32 to index
      %get3A_91 = tpu.vector_load %arg7[%get3A_90] {strides = array<i32>} : memref<3136xf32, #tpu.memory_space<vmem>>, vector<16xf32>,
      %get3A_92 = arith.index_cast %mul3A_89 : i32 to index
      %get3A_93 = tpu.vector_load %arg8[%get3A_92] {strides = array<i32>} : memref<3136xf32, #tpu.memory_space<vmem>>, vector<16xf32>,
      %get3A_94 = arith.index_cast %mul3A_89 : i32 to index
      %get3A_95 = tpu.vector_load %arg9[%get3A_94] {strides = array<i32>} : memref<3136xi32, #tpu.memory_space<vmem>>, vector<16xi32>,
      %exp3A_96 = math.exp %get3A_91 : vector<16xf32>
      tpu.vector_store_idx %arg10[%iota3A, %get3A_95], %exp3A_96 {add = true} : memref<16x513xf32, #tpu.memory_space<vmem>>[vector<16xi32>, vector<16xi32>], vector<16xf32>,
      %mul3A_97 = arith.mulf %exp3A_96, %get3A_93 : vector<16xf32>
      tpu.vector_store_idx %arg11[%iota3A, %get3A_95], %mul3A_97 {add = true} : memref<16x513xf32, #tpu.memory_space<vmem>>[vector<16xi32>, vector<16xi32>], vector<16xf32>,
      %mul3A_98 = arith.constant 14 : i32
      %mul3A_99 = arith.muli %scan3A_29, %mul3A_98 : i32
      %add3A_100 = arith.constant 5 : i32
      %add3A_101 = arith.addi %mul3A_99, %add3A_100 : i32
      %mul3A_102 = arith.constant 16 : i32
      %mul3A_103 = arith.muli %add3A_101, %mul3A_102 : i32
      %get3A_104 = arith.index_cast %mul3A_103 : i32 to index
      %get3A_105 = tpu.vector_load %arg7[%get3A_104] {strides = array<i32>} : memref<3136xf32, #tpu.memory_space<vmem>>, vector<16xf32>,
      %get3A_106 = arith.index_cast %mul3A_103 : i32 to index
      %get3A_107 = tpu.vector_load %arg8[%get3A_106] {strides = array<i32>} : memref<3136xf32, #tpu.memory_space<vmem>>, vector<16xf32>,
      %get3A_108 = arith.index_cast %mul3A_103 : i32 to index
      %get3A_109 = tpu.vector_load %arg9[%get3A_108] {strides = array<i32>} : memref<3136xi32, #tpu.memory_space<vmem>>, vector<16xi32>,
      %exp3A_110 = math.exp %get3A_105 : vector<16xf32>
      tpu.vector_store_idx %arg10[%iota3A, %get3A_109], %exp3A_110 {add = true} : memref<16x513xf32, #tpu.memory_space<vmem>>[vector<16xi32>, vector<16xi32>], vector<16xf32>,
      %mul3A_111 = arith.mulf %exp3A_110, %get3A_107 : vector<16xf32>
      tpu.vector_store_idx %arg11[%iota3A, %get3A_109], %mul3A_111 {add = true} : memref<16x513xf32, #tpu.memory_space<vmem>>[vector<16xi32>, vector<16xi32>], vector<16xf32>,
      %mul3A_112 = arith.constant 14 : i32
      %mul3A_113 = arith.muli %scan3A_29, %mul3A_112 : i32
      %add3A_114 = arith.constant 6 : i32
      %add3A_115 = arith.addi %mul3A_113, %add3A_114 : i32
      %mul3A_116 = arith.constant 16 : i32
      %mul3A_117 = arith.muli %add3A_115, %mul3A_116 : i32
      %get3A_118 = arith.index_cast %mul3A_117 : i32 to index
      %get3A_119 = tpu.vector_load %arg7[%get3A_118] {strides = array<i32>} : memref<3136xf32, #tpu.memory_space<vmem>>, vector<16xf32>,
      %get3A_120 = arith.index_cast %mul3A_117 : i32 to index
      %get3A_121 = tpu.vector_load %arg8[%get3A_120] {strides = array<i32>} : memref<3136xf32, #tpu.memory_space<vmem>>, vector<16xf32>,
      %get3A_122 = arith.index_cast %mul3A_117 : i32 to index
      %get3A_123 = tpu.vector_load %arg9[%get3A_122] {strides = array<i32>} : memref<3136xi32, #tpu.memory_space<vmem>>, vector<16xi32>,
      %exp3A_124 = math.exp %get3A_119 : vector<16xf32>
      tpu.vector_store_idx %arg10[%iota3A, %get3A_123], %exp3A_124 {add = true} : memref<16x513xf32, #tpu.memory_space<vmem>>[vector<16xi32>, vector<16xi32>], vector<16xf32>,
      %mul3A_125 = arith.mulf %exp3A_124, %get3A_121 : vector<16xf32>
      tpu.vector_store_idx %arg11[%iota3A, %get3A_123], %mul3A_125 {add = true} : memref<16x513xf32, #tpu.memory_space<vmem>>[vector<16xi32>, vector<16xi32>], vector<16xf32>,
      %mul3A_126 = arith.constant 14 : i32
      %mul3A_127 = arith.muli %scan3A_29, %mul3A_126 : i32
      %add3A_128 = arith.constant 7 : i32
      %add3A_129 = arith.addi %mul3A_127, %add3A_128 : i32
      %mul3A_130 = arith.constant 16 : i32
      %mul3A_131 = arith.muli %add3A_129, %mul3A_130 : i32
      %get3A_132 = arith.index_cast %mul3A_131 : i32 to index
      %get3A_133 = tpu.vector_load %arg7[%get3A_132] {strides = array<i32>} : memref<3136xf32, #tpu.memory_space<vmem>>, vector<16xf32>,
      %get3A_134 = arith.index_cast %mul3A_131 : i32 to index
      %get3A_135 = tpu.vector_load %arg8[%get3A_134] {strides = array<i32>} : memref<3136xf32, #tpu.memory_space<vmem>>, vector<16xf32>,
      %get3A_136 = arith.index_cast %mul3A_131 : i32 to index
      %get3A_137 = tpu.vector_load %arg9[%get3A_136] {strides = array<i32>} : memref<3136xi32, #tpu.memory_space<vmem>>, vector<16xi32>,
      %exp3A_138 = math.exp %get3A_133 : vector<16xf32>
      tpu.vector_store_idx %arg10[%iota3A, %get3A_137], %exp3A_138 {add = true} : memref<16x513xf32, #tpu.memory_space<vmem>>[vector<16xi32>, vector<16xi32>], vector<16xf32>,
      %mul3A_139 = arith.mulf %exp3A_138, %get3A_135 : vector<16xf32>
      tpu.vector_store_idx %arg11[%iota3A, %get3A_137], %mul3A_139 {add = true} : memref<16x513xf32, #tpu.memory_space<vmem>>[vector<16xi32>, vector<16xi32>], vector<16xf32>,
      %mul3A_140 = arith.constant 14 : i32
      %mul3A_141 = arith.muli %scan3A_29, %mul3A_140 : i32
      %add3A_142 = arith.constant 8 : i32
      %add3A_143 = arith.addi %mul3A_141, %add3A_142 : i32
      %mul3A_144 = arith.constant 16 : i32
      %mul3A_145 = arith.muli %add3A_143, %mul3A_144 : i32
      %get3A_146 = arith.index_cast %mul3A_145 : i32 to index
      %get3A_147 = tpu.vector_load %arg7[%get3A_146] {strides = array<i32>} : memref<3136xf32, #tpu.memory_space<vmem>>, vector<16xf32>,
      %get3A_148 = arith.index_cast %mul3A_145 : i32 to index
      %get3A_149 = tpu.vector_load %arg8[%get3A_148] {strides = array<i32>} : memref<3136xf32, #tpu.memory_space<vmem>>, vector<16xf32>,
      %get3A_150 = arith.index_cast %mul3A_145 : i32 to index
      %get3A_151 = tpu.vector_load %arg9[%get3A_150] {strides = array<i32>} : memref<3136xi32, #tpu.memory_space<vmem>>, vector<16xi32>,
      %exp3A_152 = math.exp %get3A_147 : vector<16xf32>
      tpu.vector_store_idx %arg10[%iota3A, %get3A_151], %exp3A_152 {add = true} : memref<16x513xf32, #tpu.memory_space<vmem>>[vector<16xi32>, vector<16xi32>], vector<16xf32>,
      %mul3A_153 = arith.mulf %exp3A_152, %get3A_149 : vector<16xf32>
      tpu.vector_store_idx %arg11[%iota3A, %get3A_151], %mul3A_153 {add = true} : memref<16x513xf32, #tpu.memory_space<vmem>>[vector<16xi32>, vector<16xi32>], vector<16xf32>,
      %mul3A_154 = arith.constant 14 : i32
      %mul3A_155 = arith.muli %scan3A_29, %mul3A_154 : i32
      %add3A_156 = arith.constant 9 : i32
      %add3A_157 = arith.addi %mul3A_155, %add3A_156 : i32
      %mul3A_158 = arith.constant 16 : i32
      %mul3A_159 = arith.muli %add3A_157, %mul3A_158 : i32
      %get3A_160 = arith.index_cast %mul3A_159 : i32 to index
      %get3A_161 = tpu.vector_load %arg7[%get3A_160] {strides = array<i32>} : memref<3136xf32, #tpu.memory_space<vmem>>, vector<16xf32>,
      %get3A_162 = arith.index_cast %mul3A_159 : i32 to index
      %get3A_163 = tpu.vector_load %arg8[%get3A_162] {strides = array<i32>} : memref<3136xf32, #tpu.memory_space<vmem>>, vector<16xf32>,
      %get3A_164 = arith.index_cast %mul3A_159 : i32 to index
      %get3A_165 = tpu.vector_load %arg9[%get3A_164] {strides = array<i32>} : memref<3136xi32, #tpu.memory_space<vmem>>, vector<16xi32>,
      %exp3A_166 = math.exp %get3A_161 : vector<16xf32>
      tpu.vector_store_idx %arg10[%iota3A, %get3A_165], %exp3A_166 {add = true} : memref<16x513xf32, #tpu.memory_space<vmem>>[vector<16xi32>, vector<16xi32>], vector<16xf32>,
      %mul3A_167 = arith.mulf %exp3A_166, %get3A_163 : vector<16xf32>
      tpu.vector_store_idx %arg11[%iota3A, %get3A_165], %mul3A_167 {add = true} : memref<16x513xf32, #tpu.memory_space<vmem>>[vector<16xi32>, vector<16xi32>], vector<16xf32>,
      %mul3A_168 = arith.constant 14 : i32
      %mul3A_169 = arith.muli %scan3A_29, %mul3A_168 : i32
      %add3A_170 = arith.constant 10 : i32
      %add3A_171 = arith.addi %mul3A_169, %add3A_170 : i32
      %mul3A_172 = arith.constant 16 : i32
      %mul3A_173 = arith.muli %add3A_171, %mul3A_172 : i32
      %get3A_174 = arith.index_cast %mul3A_173 : i32 to index
      %get3A_175 = tpu.vector_load %arg7[%get3A_174] {strides = array<i32>} : memref<3136xf32, #tpu.memory_space<vmem>>, vector<16xf32>,
      %get3A_176 = arith.index_cast %mul3A_173 : i32 to index
      %get3A_177 = tpu.vector_load %arg8[%get3A_176] {strides = array<i32>} : memref<3136xf32, #tpu.memory_space<vmem>>, vector<16xf32>,
      %get3A_178 = arith.index_cast %mul3A_173 : i32 to index
      %get3A_179 = tpu.vector_load %arg9[%get3A_178] {strides = array<i32>} : memref<3136xi32, #tpu.memory_space<vmem>>, vector<16xi32>,
      %exp3A_180 = math.exp %get3A_175 : vector<16xf32>
      tpu.vector_store_idx %arg10[%iota3A, %get3A_179], %exp3A_180 {add = true} : memref<16x513xf32, #tpu.memory_space<vmem>>[vector<16xi32>, vector<16xi32>], vector<16xf32>,
      %mul3A_181 = arith.mulf %exp3A_180, %get3A_177 : vector<16xf32>
      tpu.vector_store_idx %arg11[%iota3A, %get3A_179], %mul3A_181 {add = true} : memref<16x513xf32, #tpu.memory_space<vmem>>[vector<16xi32>, vector<16xi32>], vector<16xf32>,
      %mul3A_182 = arith.constant 14 : i32
      %mul3A_183 = arith.muli %scan3A_29, %mul3A_182 : i32
      %add3A_184 = arith.constant 11 : i32
      %add3A_185 = arith.addi %mul3A_183, %add3A_184 : i32
      %mul3A_186 = arith.constant 16 : i32
      %mul3A_187 = arith.muli %add3A_185, %mul3A_186 : i32
      %get3A_188 = arith.index_cast %mul3A_187 : i32 to index
      %get3A_189 = tpu.vector_load %arg7[%get3A_188] {strides = array<i32>} : memref<3136xf32, #tpu.memory_space<vmem>>, vector<16xf32>,
      %get3A_190 = arith.index_cast %mul3A_187 : i32 to index
      %get3A_191 = tpu.vector_load %arg8[%get3A_190] {strides = array<i32>} : memref<3136xf32, #tpu.memory_space<vmem>>, vector<16xf32>,
      %get3A_192 = arith.index_cast %mul3A_187 : i32 to index
      %get3A_193 = tpu.vector_load %arg9[%get3A_192] {strides = array<i32>} : memref<3136xi32, #tpu.memory_space<vmem>>, vector<16xi32>,
      %exp3A_194 = math.exp %get3A_189 : vector<16xf32>
      tpu.vector_store_idx %arg10[%iota3A, %get3A_193], %exp3A_194 {add = true} : memref<16x513xf32, #tpu.memory_space<vmem>>[vector<16xi32>, vector<16xi32>], vector<16xf32>,
      %mul3A_195 = arith.mulf %exp3A_194, %get3A_191 : vector<16xf32>
      tpu.vector_store_idx %arg11[%iota3A, %get3A_193], %mul3A_195 {add = true} : memref<16x513xf32, #tpu.memory_space<vmem>>[vector<16xi32>, vector<16xi32>], vector<16xf32>,
      %mul3A_196 = arith.constant 14 : i32
      %mul3A_197 = arith.muli %scan3A_29, %mul3A_196 : i32
      %add3A_198 = arith.constant 12 : i32
      %add3A_199 = arith.addi %mul3A_197, %add3A_198 : i32
      %mul3A_200 = arith.constant 16 : i32
      %mul3A_201 = arith.muli %add3A_199, %mul3A_200 : i32
      %get3A_202 = arith.index_cast %mul3A_201 : i32 to index
      %get3A_203 = tpu.vector_load %arg7[%get3A_202] {strides = array<i32>} : memref<3136xf32, #tpu.memory_space<vmem>>, vector<16xf32>,
      %get3A_204 = arith.index_cast %mul3A_201 : i32 to index
      %get3A_205 = tpu.vector_load %arg8[%get3A_204] {strides = array<i32>} : memref<3136xf32, #tpu.memory_space<vmem>>, vector<16xf32>,
      %get3A_206 = arith.index_cast %mul3A_201 : i32 to index
      %get3A_207 = tpu.vector_load %arg9[%get3A_206] {strides = array<i32>} : memref<3136xi32, #tpu.memory_space<vmem>>, vector<16xi32>,
      %exp3A_208 = math.exp %get3A_203 : vector<16xf32>
      tpu.vector_store_idx %arg10[%iota3A, %get3A_207], %exp3A_208 {add = true} : memref<16x513xf32, #tpu.memory_space<vmem>>[vector<16xi32>, vector<16xi32>], vector<16xf32>,
      %mul3A_209 = arith.mulf %exp3A_208, %get3A_205 : vector<16xf32>
      tpu.vector_store_idx %arg11[%iota3A, %get3A_207], %mul3A_209 {add = true} : memref<16x513xf32, #tpu.memory_space<vmem>>[vector<16xi32>, vector<16xi32>], vector<16xf32>,
      %mul3A_210 = arith.constant 14 : i32
      %mul3A_211 = arith.muli %scan3A_29, %mul3A_210 : i32
      %add3A_212 = arith.constant 13 : i32
      %add3A_213 = arith.addi %mul3A_211, %add3A_212 : i32
      %mul3A_214 = arith.constant 16 : i32
      %mul3A_215 = arith.muli %add3A_213, %mul3A_214 : i32
      %get3A_216 = arith.index_cast %mul3A_215 : i32 to index
      %get3A_217 = tpu.vector_load %arg7[%get3A_216] {strides = array<i32>} : memref<3136xf32, #tpu.memory_space<vmem>>, vector<16xf32>,
      %get3A_218 = arith.index_cast %mul3A_215 : i32 to index
      %get3A_219 = tpu.vector_load %arg8[%get3A_218] {strides = array<i32>} : memref<3136xf32, #tpu.memory_space<vmem>>, vector<16xf32>,
      %get3A_220 = arith.index_cast %mul3A_215 : i32 to index
      %get3A_221 = tpu.vector_load %arg9[%get3A_220] {strides = array<i32>} : memref<3136xi32, #tpu.memory_space<vmem>>, vector<16xi32>,
      %exp3A_222 = math.exp %get3A_217 : vector<16xf32>
      tpu.vector_store_idx %arg10[%iota3A, %get3A_221], %exp3A_222 {add = true} : memref<16x513xf32, #tpu.memory_space<vmem>>[vector<16xi32>, vector<16xi32>], vector<16xf32>,
      %mul3A_223 = arith.mulf %exp3A_222, %get3A_219 : vector<16xf32>
      tpu.vector_store_idx %arg11[%iota3A, %get3A_221], %mul3A_223 {add = true} : memref<16x513xf32, #tpu.memory_space<vmem>>[vector<16xi32>, vector<16xi32>], vector<16xf32>,
    }
    %scan3A_24 = arith.constant 14 : i32
    %mul3A_25 = arith.constant 16 : i32
    %mul3A_26 = arith.muli %add3A, %mul3A_25 : i32
    "tpu.region"() ({
      %run_scoped3A = tpu.sem_alloc : memref<!tpu.dma_semaphore, #tpu.memory_space<semaphore_mem>>
      %dma_start3A_29 = arith.constant 0 : i32
      %dma_start3A_30 = tpu.memref_slice %arg5[%mul3A_26, %dma_start3A_29] : memref<512x513xf32, #tpu.memory_space<hbm>> -> memref<16x513xf32, #tpu.memory_space<hbm>>
      %dma_start3A_31 = arith.constant 0 : i32
      %dma_start3A_32 = tpu.memref_slice %arg5[%mul3A_26, %dma_start3A_31] : memref<512x513xf32, #tpu.memory_space<hbm>> -> memref<16x513xf32, #tpu.memory_space<hbm>>
      tpu.enqueue_dma source(%arg10 : memref<16x513xf32, #tpu.memory_space<vmem>>) target(%dma_start3A_32 : memref<16x513xf32, #tpu.memory_space<hbm>>) target_semaphore(%run_scoped3A : memref<!tpu.dma_semaphore, #tpu.memory_space<semaphore_mem>>)
      %dma_wait3A_33 = arith.constant 0 : i32
      %dma_wait3A_34 = tpu.memref_slice %arg5[%mul3A_26, %dma_wait3A_33] : memref<512x513xf32, #tpu.memory_space<hbm>> -> memref<16x513xf32, #tpu.memory_space<hbm>>
      %dma_wait3A_35 = arith.constant 0 : i32
      %dma_wait3A_36 = tpu.memref_slice %arg5[%mul3A_26, %dma_wait3A_35] : memref<512x513xf32, #tpu.memory_space<hbm>> -> memref<16x513xf32, #tpu.memory_space<hbm>>
      tpu.wait_dma2 semaphore(%run_scoped3A : memref<!tpu.dma_semaphore, #tpu.memory_space<semaphore_mem>>) src(%arg10 : memref<16x513xf32, #tpu.memory_space<vmem>>) dst(%dma_wait3A_36 : memref<16x513xf32, #tpu.memory_space<hbm>>)
      tpu.yield
    }) : () -> ()
    %mul3A_27 = arith.constant 16 : i32
    %mul3A_28 = arith.muli %add3A, %mul3A_27 : i32
    "tpu.region"() ({
      %run_scoped3A = tpu.sem_alloc : memref<!tpu.dma_semaphore, #tpu.memory_space<semaphore_mem>>
      %dma_start3A_29 = arith.constant 0 : i32
      %dma_start3A_30 = tpu.memref_slice %arg6[%mul3A_28, %dma_start3A_29] : memref<512x513xf32, #tpu.memory_space<hbm>> -> memref<16x513xf32, #tpu.memory_space<hbm>>
      %dma_start3A_31 = arith.constant 0 : i32
      %dma_start3A_32 = tpu.memref_slice %arg6[%mul3A_28, %dma_start3A_31] : memref<512x513xf32, #tpu.memory_space<hbm>> -> memref<16x513xf32, #tpu.memory_space<hbm>>
      tpu.enqueue_dma source(%arg11 : memref<16x513xf32, #tpu.memory_space<vmem>>) target(%dma_start3A_32 : memref<16x513xf32, #tpu.memory_space<hbm>>) target_semaphore(%run_scoped3A : memref<!tpu.dma_semaphore, #tpu.memory_space<semaphore_mem>>)
      %dma_wait3A_33 = arith.constant 0 : i32
      %dma_wait3A_34 = tpu.memref_slice %arg6[%mul3A_28, %dma_wait3A_33] : memref<512x513xf32, #tpu.memory_space<hbm>> -> memref<16x513xf32, #tpu.memory_space<hbm>>
      %dma_wait3A_35 = arith.constant 0 : i32
      %dma_wait3A_36 = tpu.memref_slice %arg6[%mul3A_28, %dma_wait3A_35] : memref<512x513xf32, #tpu.memory_space<hbm>> -> memref<16x513xf32, #tpu.memory_space<hbm>>
      tpu.wait_dma2 semaphore(%run_scoped3A : memref<!tpu.dma_semaphore, #tpu.memory_space<semaphore_mem>>) src(%arg11 : memref<16x513xf32, #tpu.memory_space<vmem>>) dst(%dma_wait3A_36 : memref<16x513xf32, #tpu.memory_space<hbm>>)
      tpu.yield
    }) : () -> ()
    return
  }
}

module attributes {stable_mosaic.version = 14 : i64} {
  func.func @_gate_tc_body(%arg0: i32, %arg1: memref<7168x256xf32, #tpu.memory_space<vmem>>, %arg2: memref<256x32xf32, #tpu.memory_space<vmem>>, %arg3: memref<32x1xf32, #tpu.memory_space<vmem>>, %arg4: memref<32x1xf32, #tpu.memory_space<vmem>>, %arg5: memref<7168xf32, #tpu.memory_space<vmem>>, %arg6: memref<7168xf32, #tpu.memory_space<vmem>>) attributes {dimension_semantics = [#tpu.dimension_semantics<arbitrary>], iteration_bounds = array<i64: 14>, scalar_prefetch = 0 : i64, scratch_operands = 0 : i64, tpu.core_type = #tpu.core_type<tc>, window_params = [{transform_indices = @transform_0, window_bounds = array<i64: 7168, 256>}, {pipeline_mode = #tpu.pipeline_mode<synchronous>, transform_indices = @transform_1, window_bounds = array<i64: 256, 32>}, {pipeline_mode = #tpu.pipeline_mode<synchronous>, transform_indices = @transform_2, window_bounds = array<i64: 32, 1>}, {pipeline_mode = #tpu.pipeline_mode<synchronous>, transform_indices = @transform_3, window_bounds = array<i64: 32, 1>}, {transform_indices = @transform_4, window_bounds = array<i64: 7168>}, {transform_indices = @transform_5, window_bounds = array<i64: 7168>}]} {
    %get3A = arith.constant 0 : index
    %get3A_0 = arith.constant 0 : index
    %get3A_1 = vector.load %arg1[%get3A, %get3A_0] : memref<7168x256xf32, #tpu.memory_space<vmem>>, vector<7168x256xf32>
    %get3A_2 = arith.constant 0 : index
    %get3A_3 = arith.constant 0 : index
    %get3A_4 = vector.load %arg2[%get3A_2, %get3A_3] : memref<256x32xf32, #tpu.memory_space<vmem>>, vector<256x32xf32>
    %dot_general3A = arith.constant dense<0.000000e+00> : vector<7168x32xf32>
    %dot_general3A_5 = tpu.matmul %get3A_1, %get3A_4, %dot_general3A {dimension_numbers = #tpu.dot_dimension_numbers<[1], [0], [0], [1], [0, 0, 1, 1], [], []>, transpose_lhs_hint = false} : vector<7168x256xf32>, vector<256x32xf32>, vector<7168x32xf32> -> vector<7168x32xf32>
    %transpose3A = tpu.transpose %dot_general3A_5, [1, 0] : vector<7168x32xf32> -> vector<32x7168xf32>
    %get3A_6 = arith.constant 0 : index
    %get3A_7 = arith.constant 0 : index
    %get3A_8 = vector.load %arg3[%get3A_6, %get3A_7] : memref<32x1xf32, #tpu.memory_space<vmem>>, vector<32x1xf32>
    %add3A = vector.broadcast %get3A_8 : vector<32x1xf32> to vector<32x7168xf32>
    %add3A_9 = arith.addf %transpose3A, %add3A : vector<32x7168xf32>
    %max3A = arith.constant 0.000000e+00 : f32
    %max3A_10 = vector.broadcast %max3A : f32 to vector<32x7168xf32>
    %max3A_11 = arith.maximumf %add3A_9, %max3A_10 : vector<32x7168xf32>
    %get3A_12 = arith.constant 0 : index
    %get3A_13 = arith.constant 0 : index
    %get3A_14 = vector.load %arg4[%get3A_12, %get3A_13] : memref<32x1xf32, #tpu.memory_space<vmem>>, vector<32x1xf32>
    %mul3A = vector.broadcast %get3A_14 : vector<32x1xf32> to vector<32x7168xf32>
    %mul3A_15 = arith.mulf %max3A_11, %mul3A : vector<32x7168xf32>
    %reduce_sum3A = arith.constant dense<0.000000e+00> : vector<7168xf32>
    %reduce_sum3A_16 = vector.multi_reduction <add>, %mul3A_15, %reduce_sum3A [0] : vector<32x7168xf32> to vector<7168xf32>
    %broadcast_in_dim3A = vector.shape_cast %reduce_sum3A_16 : vector<7168xf32> to vector<1x7168xf32>
    %slice3A = vector.extract_strided_slice %transpose3A {offsets = [16, 0], sizes = [1, 7168], strides = [1, 1]} : vector<32x7168xf32> to vector<1x7168xf32>
    %mul3A_17 = arith.constant 7168 : i32
    %mul3A_18 = arith.muli %arg0, %mul3A_17 : i32
    %iota3A = tpu.iota {dimensions = array<i32: 1>} : vector<1x7168xi32>
    %add3A_19 = vector.broadcast %mul3A_18 : i32 to vector<1x7168xi32>
    %add3A_20 = arith.addi %add3A_19, %iota3A : vector<1x7168xi32>
    %lt3A = arith.constant 100000 : i32
    %lt3A_21 = vector.broadcast %lt3A : i32 to vector<1x7168xi32>
    %lt3A_22 = arith.cmpi slt, %add3A_20, %lt3A_21 : vector<1x7168xi32>
    %jit3A = arith.constant -1.000000e+30 : f32
    %broadcast_in_dim3A_23 = vector.broadcast %jit3A : f32 to vector<1x7168xf32>
    %select_n3A = arith.select %lt3A_22, %broadcast_in_dim3A, %broadcast_in_dim3A_23 : vector<1x7168xi1>, vector<1x7168xf32>
    %reshape3A = vector.shape_cast %select_n3A : vector<1x7168xf32> to vector<7168xf32>
    %swap3A = arith.constant 0 : index
    %swap3A_24 = vector.load %arg5[%swap3A] : memref<7168xf32, #tpu.memory_space<vmem>>, vector<7168xf32>
    tpu.vector_store %arg5[%swap3A], %reshape3A {strides = array<i32>} : memref<7168xf32, #tpu.memory_space<vmem>>, vector<7168xf32>,
    %jit3A_25 = arith.constant 0.000000e+00 : f32
    %broadcast_in_dim3A_26 = vector.broadcast %jit3A_25 : f32 to vector<1x7168xf32>
    %select_n3A_27 = arith.select %lt3A_22, %slice3A, %broadcast_in_dim3A_26 : vector<1x7168xi1>, vector<1x7168xf32>
    %reshape3A_28 = vector.shape_cast %select_n3A_27 : vector<1x7168xf32> to vector<7168xf32>
    %swap3A_29 = arith.constant 0 : index
    %swap3A_30 = vector.load %arg6[%swap3A_29] : memref<7168xf32, #tpu.memory_space<vmem>>, vector<7168xf32>
    tpu.vector_store %arg6[%swap3A_29], %reshape3A_28 {strides = array<i32>} : memref<7168xf32, #tpu.memory_space<vmem>>, vector<7168xf32>,
    return
  }
  func.func @transform_0(%arg0: i32) -> (i32, i32) {
    %c0_i32 = arith.constant 0 : i32
    %c0_i32_0 = arith.constant 0 : i32
    return %arg0, %c0_i32 : i32, i32
  }
  func.func @transform_1(%arg0: i32) -> (i32, i32) {
    %c0_i32 = arith.constant 0 : i32
    %c0_i32_0 = arith.constant 0 : i32
    %c0_i32_1 = arith.constant 0 : i32
    return %c0_i32, %c0_i32_0 : i32, i32
  }
  func.func @transform_2(%arg0: i32) -> (i32, i32) {
    %c0_i32 = arith.constant 0 : i32
    %c0_i32_0 = arith.constant 0 : i32
    %c0_i32_1 = arith.constant 0 : i32
    return %c0_i32, %c0_i32_0 : i32, i32
  }
  func.func @transform_3(%arg0: i32) -> (i32, i32) {
    %c0_i32 = arith.constant 0 : i32
    %c0_i32_0 = arith.constant 0 : i32
    %c0_i32_1 = arith.constant 0 : i32
    return %c0_i32, %c0_i32_0 : i32, i32
  }
  func.func @transform_4(%arg0: i32) -> i32 {
    %c0_i32 = arith.constant 0 : i32
    return %arg0 : i32
  }
  func.func @transform_5(%arg0: i32) -> i32 {
    %c0_i32 = arith.constant 0 : i32
    return %arg0 : i32
  }
}

module attributes {stable_mosaic.version = 14 : i64} {
  func.func @_fin_tc_body(%arg0: memref<512x513xf32, #tpu.memory_space<vmem>>, %arg1: memref<512x513xf32, #tpu.memory_space<vmem>>, %arg2: memref<1x1xf32, #tpu.memory_space<vmem>>, %arg3: memref<1x512xf32, #tpu.memory_space<vmem>>) attributes {dimension_semantics = [], scalar_prefetch = 0 : i64, scratch_operands = 0 : i64, tpu.core_type = #tpu.core_type<tc>} {
    %get3A = arith.constant 0 : index
    %get3A_0 = arith.constant 0 : index
    %get3A_1 = vector.load %arg0[%get3A, %get3A_0] : memref<512x513xf32, #tpu.memory_space<vmem>>, vector<512x513xf32>
    %reduce_sum3A = arith.constant dense<0.000000e+00> : vector<513xf32>
    %reduce_sum3A_2 = vector.multi_reduction <add>, %get3A_1, %reduce_sum3A [0] : vector<512x513xf32> to vector<513xf32>
    %broadcast_in_dim3A = vector.shape_cast %reduce_sum3A_2 : vector<513xf32> to vector<1x513xf32>
    %slice3A = vector.extract_strided_slice %broadcast_in_dim3A {offsets = [0, 0], sizes = [1, 512], strides = [1, 1]} : vector<1x513xf32> to vector<1x512xf32>
    %get3A_3 = arith.constant 0 : index
    %get3A_4 = arith.constant 0 : index
    %get3A_5 = vector.load %arg1[%get3A_3, %get3A_4] : memref<512x513xf32, #tpu.memory_space<vmem>>, vector<512x513xf32>
    %reduce_sum3A_6 = arith.constant dense<0.000000e+00> : vector<513xf32>
    %reduce_sum3A_7 = vector.multi_reduction <add>, %get3A_5, %reduce_sum3A_6 [0] : vector<512x513xf32> to vector<513xf32>
    %broadcast_in_dim3A_8 = vector.shape_cast %reduce_sum3A_7 : vector<513xf32> to vector<1x513xf32>
    %slice3A_9 = vector.extract_strided_slice %broadcast_in_dim3A_8 {offsets = [0, 0], sizes = [1, 512], strides = [1, 1]} : vector<1x513xf32> to vector<1x512xf32>
    %add3A = arith.constant 1.000000e-16 : f32
    %add3A_10 = vector.broadcast %add3A : f32 to vector<1x512xf32>
    %add3A_11 = arith.addf %slice3A, %add3A_10 : vector<1x512xf32>
    %div3A = arith.divf %slice3A_9, %add3A_11 : vector<1x512xf32>
    %get3A_12 = arith.constant 0 : index
    %get3A_13 = arith.constant 0 : index
    %get3A_14 = vector.load %arg2[%get3A_12, %get3A_13] : memref<1x1xf32, #tpu.memory_space<vmem>>, vector<1x1xf32>
    %add3A_15 = vector.broadcast %get3A_14 : vector<1x1xf32> to vector<1x512xf32>
    %add3A_16 = arith.addf %div3A, %add3A_15 : vector<1x512xf32>
    %swap3A = arith.constant 0 : index
    %swap3A_17 = arith.constant 0 : index
    %swap3A_18 = vector.load %arg3[%swap3A, %swap3A_17] : memref<1x512xf32, #tpu.memory_space<vmem>>, vector<1x512xf32>
    tpu.vector_store %arg3[%swap3A, %swap3A_17], %add3A_16 {strides = array<i32>} : memref<1x512xf32, #tpu.memory_space<vmem>>, vector<1x512xf32>,
    return
  }
}

</mosaic_0001>

<sc_bundles>
// kernel: kernel.5.cloned.1.call-start
scs
__scs_entry_jumppad:
0x0: {  	(pc) =	sbr.rel $0x88, $3  }
0x1: {  	(tag) =	ssettag $0x0;
	lr =	simm.s32 $0x1  }
0x2: {  	[smem:$0x3F9A] =	sst lr;
	_ =	strace $0xD0000000  }
0x3: {  	_ = 	snop  }
0x4: {  	_ = 	snop  }
0x5: {  	_ = 	snop  }
0x6: {  	_ = 	snop  }
0x7: {  	_ = 	snop  }
__scs_overlays_trampoline_lowered:
0x8: {  	[smem:$0x3FA9] =	sst s0  }
0x9: {  	[smem:$0x3FAA] =	sst s1  }
0xa: {  	[smem:$0x3FAB] =	sst s2  }
0xb: {  	[smem:$0x3FAC] =	sst s3  }
0xc: {  	[smem:$0x3FAD] =	sst s4  }
0xd: {  	[smem:$0x3FAE] =	sst s5  }
0xe: {  	[smem:$0x3FAF] =	sst s6  }
0xf: {  	[smem:$0x3FB0] =	sst s7  }
0x10: {  	[smem:$0x3FB1] =	sst s8  }
0x11: {  	[smem:$0x3FB2] =	sst s9;
	s0 =	simm.s32 @!p0 $0x0  }
0x12: {  	s1 =	sld [smem:$0x3F98];
	s0 =	simm.s32 @p0 $0x1  }
0x13: {  	[smem:$0x3FB3] =	sst s0;
	s0 =	simm.s32 @!p1 $0x0  }
0x14: {  	s2 =	sld [smem:$0x3F97];
	s0 =	simm.s32 @p1 $0x1  }
0x15: {  	[smem:$0x3FB4] =	sst s0;
	s0 =	simm.s32 @!p2 $0x0  }
0x16: {  	s3 =	sld [smem:$0x3FDB];
	s0 =	simm.s32 @p2 $0x1  }
0x17: {  	s4 =	simm.s32 $0x1BF5;
	[smem:$0x3FB6] =	sst s0  }
0x18: {  	s0 =	sld [smem:$0x3F99];
	_ =	swait.ge [sflag:s4], $0x0  }
0x19: {  	s7 =	sld [smem:$0x3F9A]  }
0x1a: {  	s8 =	sadd.s32 $0xFFFFE003, lr  }
0x1b: {  	s9 =	sadd.s32 $0xFFFFFEF7, lr;
	s5 =	simm.s32 $0xFFFFFFFF;
	p2 =	slt.u32 s8, $0xFFFFF086  }
0x1c: {  	p1 =	slt.u32 s9, $0xF7A;
	s5 =	simm.s32 @!p2 $0x0  }
0x1d: {  	s5 =	simm.s32 @p1 $0x1;
	p0 =	seq.s32 s7, s2  }
0x1e: {  	s7 =	smul.u32 @!p0 $0xF7A, s2;
	p2 =	seq.s32 @!p0 s5, $0x0  }
0x1f: {  	s9 =	smul.u32 $0xF7A, s1;
	s8 =	simm.s32 @!p0 $0x1BF5;
	p2 =	por !p2, p0  }
0x20: {  	[sflag:s8] =	ssyncset.s32 @!p0 $0xFFFFF086;
	s6 =	sadd.s32 @!p0 s3, s7;
	s7 =	simm.s32 @!p0 $0x108  }
0x21: {  	s3 =	sadd.s32 s3, s9;
	s6 =	sadd.s32 @!p0 $0x88, s6;
	s7 =	simm.s32 @p2 $0x1082  }
0x22: {  	[simem:s7], [sflag:s8] =	dma.local @!p0 [hbm:s6], $0xF7A  }
0x23: {  	s9 =	sor.u32 $0xD0000000, s2;
	s6 =	simm.s32 $0x108;
	_ =	swait.ge @!p0 [sflag:s8], $0x0  }
0x24: {  	s3 =	sadd.s32 $0x88, s3;
	s6 =	simm.s32 @!p1 $0x1082;
	[sflag:s4] =	ssyncset.s32 $0xFFFFF086  }
0x25: {  	[simem:s6], [sflag:s4] =	dma.local [hbm:s3], $0xF7A  }
0x26: {  	[smem:$0x3F9A] =	sst s1;
	(tag) =	ssettag s2;
	_ =	strace s9  }
0x27: {  	s1 =	sld [smem:$0x3FAA]  }
0x28: {  	s2 =	sld [smem:$0x3FAB]  }
0x29: {  	s4 =	sld [smem:$0x3FAD]  }
0x2a: {  	p0 =	seq.s32 s5, $0x0;
	s5 =	sld [smem:$0x3FAE]  }
0x2b: {  	s6 =	sld [smem:$0x3FAF]  }
0x2c: {  	s7 =	sld [smem:$0x3FB0]  }
0x2d: {  	s3 =	simm.s32 $0x108;
	s8 =	sld [smem:$0x3FB1]  }
0x2e: {  	s3 =	simm.s32 @!p0 $0x1082;
	s9 =	sld [smem:$0x3FB2]  }
0x2f: {  	lr =	sadd.s32 s0, s3;
	s0 =	sld [smem:$0x3FA9]  }
0x30: {  	s3 =	sld [smem:$0x3FAC]  }
0x31: {  	[smem:$0x3FB5] =	sst s10  }
0x32: {  	s10 =	sld [smem:$0x3FB3];
	_ =	sdelay $0x3  }
0x33: {  	p0 =	seq.s32 s10, $0x1;
	s10 =	sld [smem:$0x3FB5];
	_ =	sdelay $0x3  }
0x34: {  	[smem:$0x3FB5] =	sst s10  }
0x35: {  	s10 =	sld [smem:$0x3FB4];
	_ =	sdelay $0x3  }
0x36: {  	p1 =	seq.s32 s10, $0x1;
	s10 =	sld [smem:$0x3FB5];
	_ =	sdelay $0x3  }
0x37: {  	[smem:$0x3FB5] =	sst s10  }
0x38: {  	s10 =	sld [smem:$0x3FB6]  }
0x39: {  	_ = 	snop;
	(pc) =	sbr.ind lr, $3  }
0x3a: {  	_ = 	snop  }
0x3b: {  	_ = 	snop  }
0x3c: {  	p2 =	seq.s32 s10, $0x1;
	s10 =	sld [smem:$0x3FB5]  }
0x3d: {  	_ =	shalt  }
0x3e: {  	_ =	shalt  }
0x3f: {  	_ =	shalt  }
0x40: {  	_ =	shalt  }
0x41: {  	_ =	shalt  }
0x42: {  	_ =	shalt  }
0x43: {  	_ =	shalt  }
0x44: {  	_ =	shalt  }
0x45: {  	_ =	shalt  }
0x46: {  	_ =	shalt  }
0x47: {  	_ =	shalt  }
0x48: {  	_ =	shalt  }
0x49: {  	_ =	shalt  }
0x4a: {  	_ =	shalt  }
0x4b: {  	_ =	shalt  }
0x4c: {  	_ =	shalt  }
0x4d: {  	_ =	shalt  }
0x4e: {  	_ =	shalt  }
0x4f: {  	_ =	shalt  }
0x50: {  	_ =	shalt  }
0x51: {  	_ =	shalt  }
0x52: {  	_ =	shalt  }
0x53: {  	_ =	shalt  }
0x54: {  	_ =	shalt  }
0x55: {  	_ =	shalt  }
0x56: {  	_ =	shalt  }
0x57: {  	_ =	shalt  }
0x58: {  	_ =	shalt  }
0x59: {  	_ =	shalt  }
0x5a: {  	_ =	shalt  }
0x5b: {  	_ =	shalt  }
0x5c: {  	_ =	shalt  }
0x5d: {  	_ =	shalt  }
0x5e: {  	_ =	shalt  }
0x5f: {  	_ =	shalt  }
0x60: {  	_ =	shalt  }
0x61: {  	_ =	shalt  }
0x62: {  	_ =	shalt  }
0x63: {  	_ =	shalt  }
0x64: {  	_ =	shalt  }
0x65: {  	_ =	shalt  }
0x66: {  	_ =	shalt  }
0x67: {  	_ =	shalt  }
0x68: {  	_ =	shalt  }
0x69: {  	_ =	shalt  }
0x6a: {  	_ =	shalt  }
0x6b: {  	_ =	shalt  }
0x6c: {  	_ =	shalt  }
0x6d: {  	_ =	shalt  }
0x6e: {  	_ =	shalt  }
0x6f: {  	_ =	shalt  }
0x70: {  	_ =	shalt  }
0x71: {  	_ =	shalt  }
0x72: {  	_ =	shalt  }
0x73: {  	_ =	shalt  }
0x74: {  	_ =	shalt  }
0x75: {  	_ =	shalt  }
0x76: {  	_ =	shalt  }
0x77: {  	_ =	shalt  }
0x78: {  	_ =	shalt  }
0x79: {  	_ =	shalt  }
0x7a: {  	_ =	shalt  }
0x7b: {  	_ =	shalt  }
0x7c: {  	_ =	shalt  }
0x7d: {  	_ =	shalt  }
0x7e: {  	_ =	shalt  }
0x7f: {  	_ =	shalt  }
0x80: {  	_ =	shalt  }
0x81: {  	_ =	shalt  }
0x82: {  	_ =	shalt  }
0x83: {  	_ =	shalt  }
0x84: {  	_ =	shalt  }
0x85: {  	_ =	shalt  }
0x86: {  	_ =	shalt  }
0x87: {  	_ =	shalt  }
.Lfunc_end0:
.L_simem_size_0:
called_computation_lowered:
.L_overlay_start_0:
0x88: {  	s2 =	sld [smem:$0x3FD9]  }
0x89: {  	s3 =	sld [smem:$0x3FFE];
	_ =	sdelay $0x1  }
0x8a: {  	s1 =	srdreg.scid  }
0x8b: {  	s0 =	sand.u32 $0x1, s1  }
0x8c: {  	s16 =	sshll.u32 s0, $0xA;
	s2 =	sadd.s32 s3, s2  }
0x8d: {  	s2 =	sadd.s32 s2, s16  }
0x8e: {  	[smem:$0x3FC1] =	sst s2  }
0x8f: {  	_ = 	snop  }
0x90: {  	(tm) =	ssettm $0x1  }
0x91: {  	s17 =	sld [smem:$0x3FFB];
	_ =	sdelay $0x3  }
0x92: {  	_ =	strace s17  }
0x93: {  	s2 =	sld [smem:$0x3FFC];
	_ =	sdelay $0x3  }
0x94: {  	_ =	strace s2  }
0x95: {  	s2 =	sld [smem:$0x3FFD];
	_ =	sdelay $0x3  }
0x96: {  	_ =	strace s2  }
0x97: {  	_ =	strace $0x8FFFFFFF  }
0x98: {  	s18 =	sld [smem:$0x3FDB];
	_ =	sdelay $0x1  }
0x99: {  	s19 =	simm.s32 $_scs_section_size  }
0x9a: {  	s4 =	simm.s32 $_size__tile_overlayer_lowered;
	s5 =	simm.s32 $_tile_overlayer_lowered  }
0x9b: {  	s22 =	simm.s32 $0x1BFF;
	s21 =	sshll.u32 s5, $0x1;
	s2 =	sadd.s32 s19, s18  }
0x9c: {  	s6 =	simm.s32 $0x0;
	s20 =	sshll.u32 s4, $0x1;
	s4 =	sadd.s32 s21, s2  }
0x9d: {  	[timem:s6], [sflag:s22] =	dma.local [hbm:s4], s20  }
0x9e: {  	_ =	swait.ge [sflag:s22], s20  }
0x9f: {  	s3 =	ssub.s32 $0x0, s20;
	[sflag:s22] =	ssyncset.done $0x0  }
0xa0: {  	[sflag:s22] =	ssyncadd.s32 s3;
	_ =	sdelay $0x1  }
0xa1: {  	s23 =	simm.s32 $0x1B8B  }
0xa2: {  	_ =	swait.ge [sflag:s23], $0x1  }
0xa3: {  	[sflag:s23] =	ssyncset.done $0x0  }
0xa4: {  	s25 =	simm.s32 $0x1B8E;
	s24 =	sld [smem:$0x3FFE];
	[sflag:s23] =	ssyncadd.s32 $0xFFFFFFFF  }
0xa5: {  	s26 =	simm.s32 $execute0_lowered;
	[smem:$0x3FD2] =	sst s25  }
0xa6: {  	s4 =	sshll.u32 s26, $0x1;
	_ =	strace $0x80000046;
	[dreg:$0x1] =	wrdreg $0xFFFFFFFF  }
0xa7: {  	s28 =	simm.s32 $_size_execute0_lowered;
	s2 =	sadd.s32 s2, s4;
	[dreg:$0x0] =	wrdreg $0x0  }
0xa8: {  	s4 =	sshll.u32 s28, $0x1;
	[dreg:$0x2] =	wrdreg s2  }
0xa9: {  	[dreg:$0x3] =	wrdreg s4  }
0xaa: {  	[dreg:$0x4] =	wrdreg $0xC0  }
0xab: {  	_ =	task [dreg:s6], $0x5FFFF  }
0xac: {  	[dreg:$0x1] =	wrdreg $0xFFFFFFFF  }
0xad: {  	[dreg:$0x0] =	wrdreg $0x60  }
0xae: {  	[dreg:$0x2] =	wrdreg s24  }
0xaf: {  	[dreg:$0x3] =	wrdreg $0x9  }
0xb0: {  	_ =	task.clear_ibuf [dreg:s6], $0x4FFFF;
	_ =	strace $0x90000046  }
0xb1: {  	s29 =	simm.s32 $0x9;
	_ =	strace $0x80000048  }
0xb2: {  	_ =	swait.ge [sflag:s29], $0x1  }
0xb3: {  	[sflag:s29] =	ssyncadd.s32 $0xFFFFFFFF  }
0xb4: {  	_ =	strace $0x90000048  }
0xb5: {  	_ =	sfence  }
0xb6: {  	s30 =	sld [smem:$0x0];
	_ =	sdelay $0x2  }
0xb7: {  	s31 =	sshll.u32 s1, $0xD;
	s1 =	sshrl.u32 s1, $0x2  }
0xb8: {  	s3 =	sand.u32 $0x4000, s31;
	s1 =	sadd.s32 s1, s30  }
0xb9: {  	s0 =	sor.u32 s3, s0;
	s1 =	sshll.u32 s1, $0x11  }
0xba: {  	s0 =	sor.u32 s1, s0  }
0xbb: {  	s0 =	sadd.s32 $0x8F2B, s0  }
0xbc: {  	[sflag:s0] =	ssyncadd.remote.s32 $0x1  }
0xbd: {  	_ =	sfence.sel $0xFFFF  }
0xbe: {  	[dreg:$0x0] =	wrdreg $0xFFFFFFFF;
	(pc) =	sbr.abs _section_cstart, $3  }
0xbf: {  	[dreg:$0x1] =	wrdreg $0xFFFFFFFF  }
0xc0: {  	_ =	task.clear_ibuf [dreg:s6], $0x2FFFF;
	_ =	strace $0x9FFFFFFF  }
0xc1: {  	(tm) =	ssettm $0x7FFFFFFF  }
tec
execute0_lowered:
.L_overlay_start_1:
0x0: {  	(tag) =	ssettag $0x1  }
0x1: {  	v0 =	vimm.s32 $0x1780;
	vm0 =	vcmask $0x300  }
0x2: {  	vm14 =	vcmask $0x704;
	v0 =	vsel vm0, $0x0, v0  }
0x3: {  	vm15 =	vcmask $0xB08;
	v0 =	vsel vm14, $0x80, v0  }
0x4: {  	vm4 =	vcmask $0xF0C;
	v0 =	vsel vm15, $0x100, v0  }
0x5: {  	vm5 =	vcmask $0x1310;
	v0 =	vsel vm4, $0x180, v0  }
0x6: {  	s0 =	srdreg.scid;
	vm6 =	vcmask $0x1714;
	s4 =	rddreg [dreg:$0x0];
	v0 =	vsel vm5, $0x200, v0  }
0x7: {  	vm7 =	vcmask $0x1B18;
	s2 =	simm.s32 $0x0;
	s10 =	simm.s32 $0x1900;
	s11 =	simm.s32 $0x1;
	v0 =	vsel vm6, $0x280, v0  }
0x8: {  	vm8 =	vcmask $0x1F1C;
	s12 =	simm.s32 $0x2;
	s13 =	simm.s32 $0x3;
	s3 =	sand.u32 $0x1, s0;
	v0 =	vsel vm7, $0x300, v0  }
0x9: {  	vm9 =	vcmask $0x2320;
	s14 =	simm.s32 $0x2580;
	s0 =	stileid.u32;
	s1 =	sshll.u32 s3, $0x4;
	v0 =	vsel vm8, $0x380, v0  }
0xa: {  	vm10 =	vcmask $0x2724;
	s15 =	simm.s32 $0x4D80;
	s16 =	simm.s32 $0x4;
	s5 =	sor.u32 s0, s1;
	v0 =	vsel vm9, $0x1400, v0  }
0xb: {  	vm11 =	vcmask $0x2B28;
	s17 =	simm.s32 $0x0;
	[smem:$0x7FF] =	sst s2;
	s6 =	smul.u32 $0x188, s5;
	v0 =	vsel vm10, $0x1480, v0  }
0xc: {  	vm12 =	vcmask $0x2F2C;
	s3 =	ssub.s32 $0x2, s3;
	s1 =	rddreg [dreg:$0x1];
	s5 =	smul.u32 $0x500, s5;
	v0 =	vsel vm11, $0x1500, v0  }
0xd: {  	vm13 =	vcmask $0x3330;
	_ =	strace $0x80000047;
	s7 =	sshrl.u32 s3, $0x1;
	s6 =	sadd.s32 s6, s4;
	v0 =	vsel vm12, $0x1580, v0  }
0xe: {  	vm14 =	vcmask $0x3734;
	s9 =	ssub.s32 s3, s7;
	s8 =	sadd.s32 s5, s4;
	s3 =	sadd.s32 $0x3C00, s6;
	v0 =	vsel vm13, $0x1600, v0  }
0xf: {  	vm15 =	vcmask $0x3B38;
	s4 =	sadd.s32 $0x6E00, s6;
	s5 =	sadd.s32 $0xA00, s6;
	s6 =	sadd.s32 $0xA000, s8;
	v1 =	vsel vm14, $0x1680, v0  }
0x10: {  	s7 =	sadd.s32 $0x14000, s8;
	s8 =	smax.u32 s9, $0x1;
	s9 =	simm.s32 $0xC80;
	v0 =	vimm.f32 $0.0e+00;
	v1 =	vsel vm15, $0x1700, v1  }
.LBB2_1:
0x11: {  	[tilespmem:s2], [sflag:$0x1] =	stream.linear.gather [hbm4b:s3+s2], $0xC40, $0x38;
	[tilespmem:$0x7580] =	vst v63  }
0x12: {  	_ = 	snop  }
0x13: {  	[tilespmem:s9], [sflag:$0x2] =	stream.linear.gather [hbm4b:s4+s2], $0xC40, $0x38;
	[tilespmem:$0x7580] =	vst v63  }
0x14: {  	s18 =	simm.s32 $0x0  }
0x15: {  	[tilespmem:s10], [sflag:$0x3] =	stream.linear.gather [hbm4b:s5+s2], $0xC40, $0x38;
	[tilespmem:$0x7580] =	vst v63  }
.LBB2_2:
0x16: {  	s19 =	sshrl.u32 s18, $0x3  }
0x17: {  	s30 =	sshll.u32 s18, $0x7;
	s20 =	smul.u32 $0x1400, s19  }
0x18: {  	s21 =	sand.u32 $0x380, s30;
	s19 =	simm.s32 $0x0  }
0x19: {  	s31 =	sand.u32 $0xC00, s19;
	s20 =	sor.u32 s21, s20  }
0x1a: {  	s22 =	sand.u32 $0x70, s19;
	s23 =	sadd.s32 s20, s31  }
0x1b: {  	s21 =	simm.s32 $0x10;
	s22 =	sor.u32 s22, s23  }
.LBB2_3:
0x1c: {  	p0 =	sne.s32 s21, $0x1F0  }
0x1d: {  	[tilespmem:s22+$0x2580] =	vst v0;
	s19 =	sadd.s32 $0x80, s19;
	s23 =	smov.u32 s21;
	s21 =	sadd.s32 $0x10, s21  }
.Ltmp0:
0x1e: {  	[tilespmem:s22+$0x4D80] =	vst v0;
	(pc) =	sbr.rel @p0 .LBB2_3-.Ltmp0, $4  }
0x1f: {  	_ = 	snop  }
0x20: {  	s22 =	sand.u32 $0xC00, s19  }
0x21: {  	s23 =	sand.u32 $0x70, s23;
	s22 =	sadd.s32 s20, s22  }
0x22: {  	s22 =	sor.u32 s23, s22  }
0x23: {  	s18 =	sadd.s32 $0x1, s18  }
0x24: {  	p0 =	sne.s32 s18, $0x10  }
.Ltmp1:
0x25: {  	_ = 	snop;
	(pc) =	sbr.rel @p0 .LBB2_2-.Ltmp1, $3  }
0x26: {  	_ =	sdelay $0x1  }
0x27: {  	[tilespmem:s22+$0x2580] =	vst v0  }
0x28: {  	[tilespmem:s22+$0x4D80] =	vst v0  }
0x29: {  	_ =	swait.ge [sflag:s11], $0xC40  }
0x2a: {  	[sflag:s11] =	ssyncset.done $0x0  }
0x2b: {  	[sflag:s11] =	ssyncadd.s32 $0xFFFFF3C0  }
0x2c: {  	_ =	swait.ge [sflag:s12], $0xC40  }
0x2d: {  	[sflag:s12] =	ssyncset.done $0x0  }
0x2e: {  	[sflag:s12] =	ssyncadd.s32 $0xFFFFF3C0  }
0x2f: {  	_ =	swait.ge [sflag:s13], $0xC40  }
0x30: {  	[sflag:s13] =	ssyncset.done $0x0  }
0x31: {  	s18 =	simm.s32 $0x70;
	[sflag:s13] =	ssyncadd.s32 $0xFFFFF3C0  }
0x32: {  	v2 =	vld [tilespmem:s18+$0xFFFFFF90];
	_ =	sdelay $0x3  }
0x33: {  	s19 =	simm.s32 $0x1970  }
0x34: {  	v3 =	vld [tilespmem:s19+$0xFFFFFF90];
	v2 =	vmul.f32 $1.442695020e+00, v2;
	_ =	sdelay $0x1  }
0x35: {  	(erf) = vpow2.f32 v2;
	_ =	sdelay $0x2  }
0x36: {  	v2 =	vshll.u32 v3, $0x3  }
0x37: {  	s20 =	simm.s32 $0xCF0;
	v3 =	vand.u32 $0x7F, v3;
	v2 =	vand.u32 $0xFFFFFC00, v2  }
0x38: {  	v4 =	vld [tilespmem:s20+$0xFFFFFF90];
	v2 =	vor.u32 v3, v2  }
0x39: {  	v2 =	vadd.s32 v1, v2;
	_ =	sdelay $0x2  }
0x3a: {  	v3 =	vpop (erf)  }
0x3b: {  	v4 =	vmul.f32 v3, v4  }
0x3c: {  	[tilespmem:v2+s14+$0x0] =	vst.idx.add.f32.msk $0xffff, v3  }
0x3d: {  	[tilespmem:v2+s15+$0x0] =	vst.idx.add.f32.msk $0xffff, v4  }
0x3e: {  	v2 =	vld [tilespmem:s18+$0xFFFFFFA0];
	_ =	sdelay $0x4  }
0x3f: {  	v3 =	vld [tilespmem:s19+$0xFFFFFFA0];
	v2 =	vmul.f32 $1.442695020e+00, v2;
	_ =	sdelay $0x1  }
0x40: {  	(erf) = vpow2.f32 v2;
	_ =	sdelay $0x2  }
0x41: {  	v2 =	vshll.u32 v3, $0x3  }
0x42: {  	v3 =	vand.u32 $0x7F, v3;
	v2 =	vand.u32 $0xFFFFFC00, v2  }
0x43: {  	v4 =	vld [tilespmem:s20+$0xFFFFFFA0];
	v2 =	vor.u32 v3, v2  }
0x44: {  	v2 =	vadd.s32 v1, v2;
	_ =	sdelay $0x2  }
0x45: {  	v3 =	vpop (erf)  }
0x46: {  	v4 =	vmul.f32 v3, v4  }
0x47: {  	[tilespmem:v2+s14+$0x0] =	vst.idx.add.f32.msk $0xffff, v3  }
0x48: {  	[tilespmem:v2+s15+$0x0] =	vst.idx.add.f32.msk $0xffff, v4  }
0x49: {  	v2 =	vld [tilespmem:s18+$0xFFFFFFB0];
	_ =	sdelay $0x4  }
0x4a: {  	v3 =	vld [tilespmem:s19+$0xFFFFFFB0];
	v2 =	vmul.f32 $1.442695020e+00, v2;
	_ =	sdelay $0x1  }
0x4b: {  	(erf) = vpow2.f32 v2;
	_ =	sdelay $0x2  }
0x4c: {  	v2 =	vshll.u32 v3, $0x3  }
0x4d: {  	v3 =	vand.u32 $0x7F, v3;
	v2 =	vand.u32 $0xFFFFFC00, v2  }
0x4e: {  	v4 =	vld [tilespmem:s20+$0xFFFFFFB0];
	v2 =	vor.u32 v3, v2  }
0x4f: {  	v2 =	vadd.s32 v1, v2;
	_ =	sdelay $0x2  }
0x50: {  	v3 =	vpop (erf)  }
0x51: {  	v4 =	vmul.f32 v3, v4  }
0x52: {  	[tilespmem:v2+s14+$0x0] =	vst.idx.add.f32.msk $0xffff, v3  }
0x53: {  	[tilespmem:v2+s15+$0x0] =	vst.idx.add.f32.msk $0xffff, v4  }
0x54: {  	v2 =	vld [tilespmem:s18+$0xFFFFFFC0];
	_ =	sdelay $0x4  }
0x55: {  	v3 =	vld [tilespmem:s19+$0xFFFFFFC0];
	v2 =	vmul.f32 $1.442695020e+00, v2;
	_ =	sdelay $0x1  }
0x56: {  	(erf) = vpow2.f32 v2;
	_ =	sdelay $0x2  }
0x57: {  	v2 =	vshll.u32 v3, $0x3  }
0x58: {  	v3 =	vand.u32 $0x7F, v3;
	v2 =	vand.u32 $0xFFFFFC00, v2  }
0x59: {  	v4 =	vld [tilespmem:s20+$0xFFFFFFC0];
	v2 =	vor.u32 v3, v2  }
0x5a: {  	v2 =	vadd.s32 v1, v2;
	_ =	sdelay $0x2  }
0x5b: {  	v3 =	vpop (erf)  }
0x5c: {  	v4 =	vmul.f32 v3, v4  }
0x5d: {  	[tilespmem:v2+s14+$0x0] =	vst.idx.add.f32.msk $0xffff, v3  }
0x5e: {  	[tilespmem:v2+s15+$0x0] =	vst.idx.add.f32.msk $0xffff, v4  }
0x5f: {  	v2 =	vld [tilespmem:s18+$0xFFFFFFD0];
	_ =	sdelay $0x4  }
0x60: {  	v3 =	vld [tilespmem:s19+$0xFFFFFFD0];
	v2 =	vmul.f32 $1.442695020e+00, v2;
	_ =	sdelay $0x1  }
0x61: {  	(erf) = vpow2.f32 v2;
	_ =	sdelay $0x2  }
0x62: {  	v2 =	vshll.u32 v3, $0x3  }
0x63: {  	v3 =	vand.u32 $0x7F, v3;
	v2 =	vand.u32 $0xFFFFFC00, v2  }
0x64: {  	v4 =	vld [tilespmem:s20+$0xFFFFFFD0];
	v2 =	vor.u32 v3, v2  }
0x65: {  	v2 =	vadd.s32 v1, v2;
	_ =	sdelay $0x2  }
0x66: {  	v3 =	vpop (erf)  }
0x67: {  	v4 =	vmul.f32 v3, v4  }
0x68: {  	[tilespmem:v2+s14+$0x0] =	vst.idx.add.f32.msk $0xffff, v3  }
0x69: {  	[tilespmem:v2+s15+$0x0] =	vst.idx.add.f32.msk $0xffff, v4  }
0x6a: {  	v2 =	vld [tilespmem:s18+$0xFFFFFFE0];
	_ =	sdelay $0x4  }
0x6b: {  	v3 =	vld [tilespmem:s19+$0xFFFFFFE0];
	v2 =	vmul.f32 $1.442695020e+00, v2;
	_ =	sdelay $0x1  }
0x6c: {  	(erf) = vpow2.f32 v2;
	_ =	sdelay $0x2  }
0x6d: {  	v2 =	vshll.u32 v3, $0x3  }
0x6e: {  	v3 =	vand.u32 $0x7F, v3;
	v2 =	vand.u32 $0xFFFFFC00, v2  }
0x6f: {  	v4 =	vld [tilespmem:s20+$0xFFFFFFE0];
	v2 =	vor.u32 v3, v2  }
0x70: {  	v2 =	vadd.s32 v1, v2;
	_ =	sdelay $0x2  }
0x71: {  	v3 =	vpop (erf)  }
0x72: {  	v4 =	vmul.f32 v3, v4  }
0x73: {  	[tilespmem:v2+s14+$0x0] =	vst.idx.add.f32.msk $0xffff, v3  }
0x74: {  	[tilespmem:v2+s15+$0x0] =	vst.idx.add.f32.msk $0xffff, v4  }
0x75: {  	v2 =	vld [tilespmem:s18+$0xFFFFFFF0];
	_ =	sdelay $0x4  }
0x76: {  	v3 =	vld [tilespmem:s19+$0xFFFFFFF0];
	v2 =	vmul.f32 $1.442695020e+00, v2;
	_ =	sdelay $0x1  }
0x77: {  	(erf) = vpow2.f32 v2;
	_ =	sdelay $0x2  }
0x78: {  	v2 =	vshll.u32 v3, $0x3  }
0x79: {  	v3 =	vand.u32 $0x7F, v3;
	v2 =	vand.u32 $0xFFFFFC00, v2  }
0x7a: {  	v2 =	vor.u32 v3, v2;
	v3 =	vld [tilespmem:s20+$0xFFFFFFF0]  }
0x7b: {  	v2 =	vadd.s32 v1, v2;
	_ =	sdelay $0x2  }
0x7c: {  	v4 =	vpop (erf)  }
0x7d: {  	v3 =	vmul.f32 v4, v3  }
0x7e: {  	[tilespmem:v2+s14+$0x0] =	vst.idx.add.f32.msk $0xffff, v4  }
0x7f: {  	[tilespmem:v2+s15+$0x0] =	vst.idx.add.f32.msk $0xffff, v3  }
0x80: {  	v2 =	vld [tilespmem:s18+$0x0];
	_ =	sdelay $0x4  }
0x81: {  	v3 =	vld [tilespmem:s19+$0x0];
	v2 =	vmul.f32 $1.442695020e+00, v2;
	_ =	sdelay $0x1  }
0x82: {  	(erf) = vpow2.f32 v2;
	_ =	sdelay $0x2  }
0x83: {  	v2 =	vshll.u32 v3, $0x3  }
0x84: {  	v3 =	vand.u32 $0x7F, v3;
	v2 =	vand.u32 $0xFFFFFC00, v2  }
0x85: {  	v2 =	vor.u32 v3, v2;
	v3 =	vld [tilespmem:s20+$0x0]  }
0x86: {  	v2 =	vadd.s32 v1, v2;
	_ =	sdelay $0x2  }
0x87: {  	v4 =	vpop (erf)  }
0x88: {  	v3 =	vmul.f32 v4, v3  }
0x89: {  	s21 =	simm.s32 $0x0;
	[tilespmem:v2+s14+$0x0] =	vst.idx.add.f32.msk $0xffff, v4  }
0x8a: {  	s21 =	sand.u32 $0xFE0, s21;
	[tilespmem:v2+s15+$0x0] =	vst.idx.add.f32.msk $0xffff, v3  }
0x8b: {  	v2 =	vld [tilespmem:s21+$0x80];
	_ =	sdelay $0x4  }
0x8c: {  	v3 =	vld [tilespmem:s21+$0x1980];
	v2 =	vmul.f32 $1.442695020e+00, v2;
	_ =	sdelay $0x1  }
0x8d: {  	(erf) = vpow2.f32 v2;
	_ =	sdelay $0x2  }
0x8e: {  	v2 =	vshll.u32 v3, $0x3  }
0x8f: {  	v3 =	vand.u32 $0x7F, v3;
	v2 =	vand.u32 $0xFFFFFC00, v2  }
0x90: {  	v4 =	vld [tilespmem:s21+$0xD00];
	v2 =	vor.u32 v3, v2  }
0x91: {  	v2 =	vadd.s32 v1, v2;
	_ =	sdelay $0x2  }
0x92: {  	v3 =	vpop (erf)  }
0x93: {  	v4 =	vmul.f32 v3, v4  }
0x94: {  	[tilespmem:v2+s14+$0x0] =	vst.idx.add.f32.msk $0xffff, v3  }
0x95: {  	[tilespmem:v2+s15+$0x0] =	vst.idx.add.f32.msk $0xffff, v4  }
0x96: {  	v2 =	vld [tilespmem:s18+$0x20];
	_ =	sdelay $0x4  }
0x97: {  	v3 =	vld [tilespmem:s19+$0x20];
	v2 =	vmul.f32 $1.442695020e+00, v2;
	_ =	sdelay $0x1  }
0x98: {  	(erf) = vpow2.f32 v2;
	_ =	sdelay $0x2  }
0x99: {  	v2 =	vshll.u32 v3, $0x3  }
0x9a: {  	v3 =	vand.u32 $0x7F, v3;
	v2 =	vand.u32 $0xFFFFFC00, v2  }
0x9b: {  	v4 =	vld [tilespmem:s20+$0x20];
	v2 =	vor.u32 v3, v2  }
0x9c: {  	v2 =	vadd.s32 v1, v2;
	_ =	sdelay $0x2  }
0x9d: {  	v3 =	vpop (erf)  }
0x9e: {  	v4 =	vmul.f32 v3, v4  }
0x9f: {  	[tilespmem:v2+s14+$0x0] =	vst.idx.add.f32.msk $0xffff, v3  }
0xa0: {  	[tilespmem:v2+s15+$0x0] =	vst.idx.add.f32.msk $0xffff, v4  }
0xa1: {  	v2 =	vld [tilespmem:s18+$0x30];
	_ =	sdelay $0x4  }
0xa2: {  	v3 =	vld [tilespmem:s19+$0x30];
	v2 =	vmul.f32 $1.442695020e+00, v2;
	_ =	sdelay $0x1  }
0xa3: {  	(erf) = vpow2.f32 v2;
	_ =	sdelay $0x2  }
0xa4: {  	v2 =	vshll.u32 v3, $0x3  }
0xa5: {  	v3 =	vand.u32 $0x7F, v3;
	v2 =	vand.u32 $0xFFFFFC00, v2  }
0xa6: {  	v4 =	vld [tilespmem:s20+$0x30];
	v2 =	vor.u32 v3, v2  }
0xa7: {  	v2 =	vadd.s32 v1, v2;
	_ =	sdelay $0x2  }
0xa8: {  	v3 =	vpop (erf)  }
0xa9: {  	v4 =	vmul.f32 v3, v4  }
0xaa: {  	[tilespmem:v2+s14+$0x0] =	vst.idx.add.f32.msk $0xffff, v3  }
0xab: {  	[tilespmem:v2+s15+$0x0] =	vst.idx.add.f32.msk $0xffff, v4  }
0xac: {  	v2 =	vld [tilespmem:s18+$0x40];
	_ =	sdelay $0x4  }
0xad: {  	v3 =	vld [tilespmem:s19+$0x40];
	v2 =	vmul.f32 $1.442695020e+00, v2;
	_ =	sdelay $0x1  }
0xae: {  	(erf) = vpow2.f32 v2;
	_ =	sdelay $0x2  }
0xaf: {  	v2 =	vshll.u32 v3, $0x3  }
0xb0: {  	v3 =	vand.u32 $0x7F, v3;
	v2 =	vand.u32 $0xFFFFFC00, v2  }
0xb1: {  	v4 =	vld [tilespmem:s20+$0x40];
	v2 =	vor.u32 v3, v2  }
0xb2: {  	v2 =	vadd.s32 v1, v2;
	_ =	sdelay $0x2  }
0xb3: {  	v3 =	vpop (erf)  }
0xb4: {  	v4 =	vmul.f32 v3, v4  }
0xb5: {  	[tilespmem:v2+s14+$0x0] =	vst.idx.add.f32.msk $0xffff, v3  }
0xb6: {  	[tilespmem:v2+s15+$0x0] =	vst.idx.add.f32.msk $0xffff, v4  }
0xb7: {  	v2 =	vld [tilespmem:s18+$0x50];
	_ =	sdelay $0x4  }
0xb8: {  	v3 =	vld [tilespmem:s19+$0x50];
	v2 =	vmul.f32 $1.442695020e+00, v2;
	_ =	sdelay $0x1  }
0xb9: {  	(erf) = vpow2.f32 v2;
	_ =	sdelay $0x2  }
0xba: {  	v2 =	vshll.u32 v3, $0x3  }
0xbb: {  	v3 =	vand.u32 $0x7F, v3;
	v2 =	vand.u32 $0xFFFFFC00, v2  }
0xbc: {  	v4 =	vld [tilespmem:s20+$0x50];
	v2 =	vor.u32 v3, v2  }
0xbd: {  	v2 =	vadd.s32 v1, v2;
	_ =	sdelay $0x2  }
0xbe: {  	v3 =	vpop (erf)  }
0xbf: {  	v4 =	vmul.f32 v3, v4  }
0xc0: {  	[tilespmem:v2+s14+$0x0] =	vst.idx.add.f32.msk $0xffff, v3  }
0xc1: {  	[tilespmem:v2+s15+$0x0] =	vst.idx.add.f32.msk $0xffff, v4  }
0xc2: {  	v2 =	vld [tilespmem:s18+$0x60];
	_ =	sdelay $0x3  }
0xc3: {  	v3 =	vld [tilespmem:s19+$0x60]  }
0xc4: {  	v2 =	vmul.f32 $1.442695020e+00, v2;
	_ =	sdelay $0x1  }
0xc5: {  	(erf) = vpow2.f32 v2;
	_ =	sdelay $0x1  }
0xc6: {  	v2 =	vshll.u32 v3, $0x3  }
0xc7: {  	v3 =	vand.u32 $0x7F, v3;
	v2 =	vand.u32 $0xFFFFFC00, v2  }
0xc8: {  	v2 =	vor.u32 v3, v2  }
0xc9: {  	v3 =	vld [tilespmem:s20+$0x60];
	v2 =	vadd.s32 v1, v2;
	_ =	sdelay $0x3  }
0xca: {  	v4 =	vpop (erf)  }
0xcb: {  	s21 =	simm.s32 $0xE0;
	[tilespmem:v2+s14+$0x0] =	vst.idx.add.f32.msk $0xffff, v4;
	v3 =	vmul.f32 v4, v3  }
.LBB2_6:
0xcc: {  	_ = 	snop  }
0xcd: {  	s18 =	sadd.s32 $0xE0, s18;
	s20 =	sadd.s32 $0xE0, s20;
	s19 =	sadd.s32 $0xE0, s19;
	[tilespmem:v2+s15+$0x0] =	vst.idx.add.f32.msk $0xffff, v3  }
0xce: {  	p0 =	sne.s32 s21, $0xB60;
	s22 =	smov.u32 s21;
	s21 =	sadd.s32 $0xE0, s21;
	v2 =	vld [tilespmem:s18+$0xFFFFFF90]  }
0xcf: {  	_ =	sdelay $0x3  }
0xd0: {  	v3 =	vld [tilespmem:s19+$0xFFFFFF90];
	v2 =	vmul.f32 $1.442695020e+00, v2;
	_ =	sdelay $0x1  }
0xd1: {  	(erf) = vpow2.f32 v2;
	_ =	sdelay $0x2  }
0xd2: {  	v2 =	vshll.u32 v3, $0x3  }
0xd3: {  	v3 =	vand.u32 $0x7F, v3;
	v2 =	vand.u32 $0xFFFFFC00, v2  }
0xd4: {  	v4 =	vld [tilespmem:s20+$0xFFFFFF90];
	v2 =	vor.u32 v3, v2  }
0xd5: {  	v2 =	vadd.s32 v1, v2;
	_ =	sdelay $0x2  }
0xd6: {  	v3 =	vpop (erf)  }
0xd7: {  	v4 =	vmul.f32 v3, v4  }
0xd8: {  	[tilespmem:v2+s14+$0x0] =	vst.idx.add.f32.msk $0xffff, v3  }
0xd9: {  	[tilespmem:v2+s15+$0x0] =	vst.idx.add.f32.msk $0xffff, v4  }
0xda: {  	v2 =	vld [tilespmem:s18+$0xFFFFFFA0];
	_ =	sdelay $0x4  }
0xdb: {  	v3 =	vld [tilespmem:s19+$0xFFFFFFA0];
	v2 =	vmul.f32 $1.442695020e+00, v2;
	_ =	sdelay $0x1  }
0xdc: {  	(erf) = vpow2.f32 v2;
	_ =	sdelay $0x2  }
0xdd: {  	v2 =	vshll.u32 v3, $0x3  }
0xde: {  	v3 =	vand.u32 $0x7F, v3;
	v2 =	vand.u32 $0xFFFFFC00, v2  }
0xdf: {  	v4 =	vld [tilespmem:s20+$0xFFFFFFA0];
	v2 =	vor.u32 v3, v2  }
0xe0: {  	v2 =	vadd.s32 v1, v2;
	_ =	sdelay $0x2  }
0xe1: {  	v3 =	vpop (erf)  }
0xe2: {  	v4 =	vmul.f32 v3, v4  }
0xe3: {  	[tilespmem:v2+s14+$0x0] =	vst.idx.add.f32.msk $0xffff, v3  }
0xe4: {  	[tilespmem:v2+s15+$0x0] =	vst.idx.add.f32.msk $0xffff, v4  }
0xe5: {  	v2 =	vld [tilespmem:s18+$0xFFFFFFB0];
	_ =	sdelay $0x4  }
0xe6: {  	v3 =	vld [tilespmem:s19+$0xFFFFFFB0];
	v2 =	vmul.f32 $1.442695020e+00, v2;
	_ =	sdelay $0x1  }
0xe7: {  	(erf) = vpow2.f32 v2;
	_ =	sdelay $0x2  }
0xe8: {  	v2 =	vshll.u32 v3, $0x3  }
0xe9: {  	v3 =	vand.u32 $0x7F, v3;
	v2 =	vand.u32 $0xFFFFFC00, v2  }
0xea: {  	v4 =	vld [tilespmem:s20+$0xFFFFFFB0];
	v2 =	vor.u32 v3, v2  }
0xeb: {  	v2 =	vadd.s32 v1, v2;
	_ =	sdelay $0x2  }
0xec: {  	v3 =	vpop (erf)  }
0xed: {  	v4 =	vmul.f32 v3, v4  }
0xee: {  	[tilespmem:v2+s14+$0x0] =	vst.idx.add.f32.msk $0xffff, v3  }
0xef: {  	[tilespmem:v2+s15+$0x0] =	vst.idx.add.f32.msk $0xffff, v4  }
0xf0: {  	v2 =	vld [tilespmem:s18+$0xFFFFFFC0];
	_ =	sdelay $0x4  }
0xf1: {  	v3 =	vld [tilespmem:s19+$0xFFFFFFC0];
	v2 =	vmul.f32 $1.442695020e+00, v2;
	_ =	sdelay $0x1  }
0xf2: {  	(erf) = vpow2.f32 v2;
	_ =	sdelay $0x2  }
0xf3: {  	v2 =	vshll.u32 v3, $0x3  }
0xf4: {  	v3 =	vand.u32 $0x7F, v3;
	v2 =	vand.u32 $0xFFFFFC00, v2  }
0xf5: {  	v4 =	vld [tilespmem:s20+$0xFFFFFFC0];
	v2 =	vor.u32 v3, v2  }
0xf6: {  	v2 =	vadd.s32 v1, v2;
	_ =	sdelay $0x2  }
0xf7: {  	v3 =	vpop (erf)  }
0xf8: {  	v4 =	vmul.f32 v3, v4  }
0xf9: {  	[tilespmem:v2+s14+$0x0] =	vst.idx.add.f32.msk $0xffff, v3  }
0xfa: {  	[tilespmem:v2+s15+$0x0] =	vst.idx.add.f32.msk $0xffff, v4  }
0xfb: {  	v2 =	vld [tilespmem:s18+$0xFFFFFFD0];
	_ =	sdelay $0x4  }
0xfc: {  	v3 =	vld [tilespmem:s19+$0xFFFFFFD0];
	v2 =	vmul.f32 $1.442695020e+00, v2;
	_ =	sdelay $0x1  }
0xfd: {  	(erf) = vpow2.f32 v2;
	_ =	sdelay $0x2  }
0xfe: {  	v2 =	vshll.u32 v3, $0x3  }
0xff: {  	v3 =	vand.u32 $0x7F, v3;
	v2 =	vand.u32 $0xFFFFFC00, v2  }
0x100: {  	v4 =	vld [tilespmem:s20+$0xFFFFFFD0];
	v2 =	vor.u32 v3, v2  }
0x101: {  	v2 =	vadd.s32 v1, v2;
	_ =	sdelay $0x2  }
0x102: {  	v3 =	vpop (erf)  }
0x103: {  	v4 =	vmul.f32 v3, v4  }
0x104: {  	[tilespmem:v2+s14+$0x0] =	vst.idx.add.f32.msk $0xffff, v3  }
0x105: {  	[tilespmem:v2+s15+$0x0] =	vst.idx.add.f32.msk $0xffff, v4  }
0x106: {  	v2 =	vld [tilespmem:s18+$0xFFFFFFE0];
	_ =	sdelay $0x4  }
0x107: {  	v3 =	vld [tilespmem:s19+$0xFFFFFFE0];
	v2 =	vmul.f32 $1.442695020e+00, v2;
	_ =	sdelay $0x1  }
0x108: {  	(erf) = vpow2.f32 v2;
	_ =	sdelay $0x2  }
0x109: {  	v2 =	vshll.u32 v3, $0x3  }
0x10a: {  	v3 =	vand.u32 $0x7F, v3;
	v2 =	vand.u32 $0xFFFFFC00, v2  }
0x10b: {  	v4 =	vld [tilespmem:s20+$0xFFFFFFE0];
	v2 =	vor.u32 v3, v2  }
0x10c: {  	v2 =	vadd.s32 v1, v2;
	_ =	sdelay $0x2  }
0x10d: {  	v3 =	vpop (erf)  }
0x10e: {  	v4 =	vmul.f32 v3, v4  }
0x10f: {  	[tilespmem:v2+s14+$0x0] =	vst.idx.add.f32.msk $0xffff, v3  }
0x110: {  	[tilespmem:v2+s15+$0x0] =	vst.idx.add.f32.msk $0xffff, v4  }
0x111: {  	v2 =	vld [tilespmem:s18+$0xFFFFFFF0]  }
0x112: {  	v3 =	vld [tilespmem:s19+$0xFFFFFFF0];
	_ =	sdelay $0x3  }
0x113: {  	v2 =	vmul.f32 $1.442695020e+00, v2  }
0x114: {  	v4 =	vshll.u32 v3, $0x3  }
0x115: {  	v3 =	vand.u32 $0x7F, v3;
	v4 =	vand.u32 $0xFFFFFC00, v4;
	(erf) = vpow2.f32 v2  }
0x116: {  	v2 =	vor.u32 v3, v4;
	_ =	sdelay $0x3  }
0x117: {  	v2 =	vadd.s32 v1, v2;
	v3 =	vld [tilespmem:s20+$0xFFFFFFF0];
	_ =	sdelay $0x3  }
0x118: {  	v4 =	vpop (erf)  }
0x119: {  	[tilespmem:v2+s14+$0x0] =	vst.idx.add.f32.msk $0xffff, v4;
	v3 =	vmul.f32 v4, v3;
	_ =	sdelay $0x1  }
0x11a: {  	[tilespmem:v2+s15+$0x0] =	vst.idx.add.f32.msk $0xffff, v3  }
0x11b: {  	v2 =	vld [tilespmem:s18+$0x0];
	_ =	sdelay $0x3  }
0x11c: {  	v3 =	vld [tilespmem:s19+$0x0]  }
0x11d: {  	v2 =	vmul.f32 $1.442695020e+00, v2;
	_ =	sdelay $0x1  }
0x11e: {  	(erf) = vpow2.f32 v2;
	_ =	sdelay $0x1  }
0x11f: {  	v2 =	vshll.u32 v3, $0x3  }
0x120: {  	v3 =	vand.u32 $0x7F, v3;
	v2 =	vand.u32 $0xFFFFFC00, v2  }
0x121: {  	v2 =	vor.u32 v3, v2  }
0x122: {  	v3 =	vld [tilespmem:s20+$0x0];
	v2 =	vadd.s32 v1, v2;
	_ =	sdelay $0x3  }
0x123: {  	v4 =	vpop (erf)  }
0x124: {  	[tilespmem:v2+s14+$0x0] =	vst.idx.add.f32.msk $0xffff, v4;
	v3 =	vmul.f32 v4, v3;
	_ =	sdelay $0x1  }
0x125: {  	s22 =	sand.u32 $0xFE0, s22;
	[tilespmem:v2+s15+$0x0] =	vst.idx.add.f32.msk $0xffff, v3  }
0x126: {  	v2 =	vld [tilespmem:s22+$0x80]  }
0x127: {  	v3 =	vld [tilespmem:s22+$0x1980]  }
0x128: {  	v4 =	vld [tilespmem:s22+$0xD00];
	_ =	sdelay $0x2  }
0x129: {  	v2 =	vmul.f32 $1.442695020e+00, v2  }
0x12a: {  	v5 =	vshll.u32 v3, $0x3  }
0x12b: {  	v3 =	vand.u32 $0x7F, v3;
	v5 =	vand.u32 $0xFFFFFC00, v5;
	(erf) = vpow2.f32 v2  }
0x12c: {  	v2 =	vor.u32 v3, v5;
	_ =	sdelay $0x3  }
0x12d: {  	v2 =	vadd.s32 v1, v2;
	_ =	sdelay $0x3  }
0x12e: {  	v3 =	vpop (erf)  }
0x12f: {  	[tilespmem:v2+s14+$0x0] =	vst.idx.add.f32.msk $0xffff, v3;
	v3 =	vmul.f32 v3, v4;
	_ =	sdelay $0x1  }
0x130: {  	[tilespmem:v2+s15+$0x0] =	vst.idx.add.f32.msk $0xffff, v3  }
0x131: {  	v2 =	vld [tilespmem:s18+$0x20]  }
0x132: {  	v3 =	vld [tilespmem:s19+$0x20]  }
0x133: {  	v4 =	vld [tilespmem:s20+$0x20];
	_ =	sdelay $0x2  }
0x134: {  	v2 =	vmul.f32 $1.442695020e+00, v2  }
0x135: {  	v5 =	vshll.u32 v3, $0x3  }
0x136: {  	v3 =	vand.u32 $0x7F, v3;
	v5 =	vand.u32 $0xFFFFFC00, v5;
	(erf) = vpow2.f32 v2  }
0x137: {  	v2 =	vor.u32 v3, v5;
	_ =	sdelay $0x3  }
0x138: {  	v2 =	vadd.s32 v1, v2;
	_ =	sdelay $0x3  }
0x139: {  	v3 =	vpop (erf)  }
0x13a: {  	[tilespmem:v2+s14+$0x0] =	vst.idx.add.f32.msk $0xffff, v3;
	v3 =	vmul.f32 v3, v4;
	_ =	sdelay $0x1  }
0x13b: {  	[tilespmem:v2+s15+$0x0] =	vst.idx.add.f32.msk $0xffff, v3  }
0x13c: {  	v2 =	vld [tilespmem:s18+$0x30]  }
0x13d: {  	v3 =	vld [tilespmem:s19+$0x30]  }
0x13e: {  	v4 =	vld [tilespmem:s20+$0x30];
	_ =	sdelay $0x2  }
0x13f: {  	v2 =	vmul.f32 $1.442695020e+00, v2  }
0x140: {  	v5 =	vshll.u32 v3, $0x3  }
0x141: {  	v3 =	vand.u32 $0x7F, v3;
	v5 =	vand.u32 $0xFFFFFC00, v5;
	(erf) = vpow2.f32 v2  }
0x142: {  	v2 =	vor.u32 v3, v5;
	_ =	sdelay $0x3  }
0x143: {  	v2 =	vadd.s32 v1, v2;
	_ =	sdelay $0x3  }
0x144: {  	v3 =	vpop (erf)  }
0x145: {  	[tilespmem:v2+s14+$0x0] =	vst.idx.add.f32.msk $0xffff, v3;
	v3 =	vmul.f32 v3, v4;
	_ =	sdelay $0x1  }
0x146: {  	[tilespmem:v2+s15+$0x0] =	vst.idx.add.f32.msk $0xffff, v3  }
0x147: {  	v2 =	vld [tilespmem:s18+$0x40]  }
0x148: {  	v3 =	vld [tilespmem:s19+$0x40]  }
0x149: {  	v4 =	vld [tilespmem:s20+$0x40];
	_ =	sdelay $0x2  }
0x14a: {  	v2 =	vmul.f32 $1.442695020e+00, v2  }
0x14b: {  	v5 =	vshll.u32 v3, $0x3  }
0x14c: {  	v3 =	vand.u32 $0x7F, v3;
	v5 =	vand.u32 $0xFFFFFC00, v5;
	(erf) = vpow2.f32 v2  }
0x14d: {  	v2 =	vor.u32 v3, v5;
	_ =	sdelay $0x3  }
0x14e: {  	v2 =	vadd.s32 v1, v2;
	_ =	sdelay $0x3  }
0x14f: {  	v3 =	vpop (erf)  }
0x150: {  	[tilespmem:v2+s14+$0x0] =	vst.idx.add.f32.msk $0xffff, v3;
	v3 =	vmul.f32 v3, v4;
	_ =	sdelay $0x1  }
0x151: {  	[tilespmem:v2+s15+$0x0] =	vst.idx.add.f32.msk $0xffff, v3  }
0x152: {  	v2 =	vld [tilespmem:s18+$0x50]  }
0x153: {  	v3 =	vld [tilespmem:s19+$0x50]  }
0x154: {  	v4 =	vld [tilespmem:s20+$0x50];
	_ =	sdelay $0x2  }
0x155: {  	v2 =	vmul.f32 $1.442695020e+00, v2  }
0x156: {  	v5 =	vshll.u32 v3, $0x3  }
0x157: {  	v3 =	vand.u32 $0x7F, v3;
	v5 =	vand.u32 $0xFFFFFC00, v5;
	(erf) = vpow2.f32 v2  }
0x158: {  	v2 =	vor.u32 v3, v5;
	_ =	sdelay $0x3  }
0x159: {  	v2 =	vadd.s32 v1, v2;
	_ =	sdelay $0x3  }
0x15a: {  	v3 =	vpop (erf)  }
0x15b: {  	[tilespmem:v2+s14+$0x0] =	vst.idx.add.f32.msk $0xffff, v3;
	v3 =	vmul.f32 v3, v4;
	_ =	sdelay $0x1  }
0x15c: {  	[tilespmem:v2+s15+$0x0] =	vst.idx.add.f32.msk $0xffff, v3  }
0x15d: {  	v2 =	vld [tilespmem:s18+$0x60]  }
0x15e: {  	v3 =	vld [tilespmem:s19+$0x60]  }
0x15f: {  	v4 =	vld [tilespmem:s20+$0x60];
	_ =	sdelay $0x2  }
0x160: {  	v2 =	vmul.f32 $1.442695020e+00, v2  }
0x161: {  	v5 =	vshll.u32 v3, $0x3  }
0x162: {  	v3 =	vand.u32 $0x7F, v3;
	v5 =	vand.u32 $0xFFFFFC00, v5;
	(erf) = vpow2.f32 v2  }
0x163: {  	v2 =	vor.u32 v3, v5;
	_ =	sdelay $0x3  }
0x164: {  	v2 =	vadd.s32 v1, v2  }
.Ltmp2:
0x165: {  	(pc) =	sbr.rel @p0 .LBB2_6-.Ltmp2, $3  }
0x166: {  	_ =	sdelay $0x1  }
0x167: {  	v3 =	vpop (erf)  }
0x168: {  	[tilespmem:v2+s14+$0x0] =	vst.idx.add.f32.msk $0xffff, v3;
	v3 =	vmul.f32 v3, v4  }
0x169: {  	_ =	sdelay $0x3  }
0x16a: {  	[tilespmem:v2+s15+$0x0] =	vst.idx.add.f32.msk $0xffff, v3  }
0x16b: {  	[hbm4b:s6+s2] =	stream.linear.scatter [tilespmem:s14], [sflag:$0x4], $0x2800, $0x38;
	[tilespmem:$0x7580] =	vst v63  }
0x16c: {  	s17 =	sadd.s32 $0x1, s17;
	_ =	swait.ge [sflag:s16], $0x2800  }
0x16d: {  	p0 =	sne.s32 s17, s8;
	[sflag:s16] =	ssyncset.done $0x0  }
.Ltmp3:
0x16e: {  	[sflag:s16] =	ssyncadd.s32 $0xFFFFD800;
	(pc) =	sbr.rel @p0 .LBB2_1-.Ltmp3, $4  }
0x16f: {  	[hbm4b:s7+s2] =	stream.linear.scatter [tilespmem:s15], [sflag:$0x4], $0x2800, $0x38;
	[tilespmem:$0x7580] =	vst v63  }
0x170: {  	_ =	swait.ge [sflag:s16], $0x2800  }
0x171: {  	[sflag:s16] =	ssyncset.done $0x0  }
0x172: {  	[sflag:s16] =	ssyncadd.s32 $0xFFFFD800  }
0x173: {  	_ =	sfence.sel $0x180000  }
0x174: {  	[bflag:$0x0] =	sbarrier.arrive $0xFFFF  }
0x175: {  	p0 =	sne.s32 s0, $0x0;
	_ =	strace $0x90000047  }
0x176: {  	s0 =	sadd.s32 @!p0 $0x100000, s1;
	[bflag:$0x2] =	sbarrier.arrive $0xFFFF  }
0x177: {  	[sflag:s0] =	ssyncadd.tile.s32 @!p0 $0x1;
	_ =	shalt  }
.Lfunc_end2:
_tile_overlayer_lowered:
.L_overlay_start_2:
0x178: {  	(tag) =	ssettag $0x2  }
0x179: {  	s0 =	rddreg [dreg:$0x0];
	s2 =	stileid.u32  }
0x17a: {  	s1 =	rddreg [dreg:$0x1];
	p0 =	sne.s32 s2, $0x0  }
0x17b: {  	s3 =	rddreg [dreg:$0x2];
	[bflag:$0x3] =	sbarrier.arrive $0xFFFF;
	s2 =	simm.s32 @!p0 $0x1C04  }
0x17c: {  	[timem:s3], [sflag:s2] =	dma.local @!p0 [hbm:s0], s1  }
0x17d: {  	s0 =	simm.s32 @!p0 $0x4  }
0x17e: {  	_ =	swait.ge @!p0 [sflag:s0], s1  }
0x17f: {  	s1 =	ssub.s32 @!p0 $0x0, s1;
	[sflag:s0] =	ssyncset.done @!p0 $0x0  }
0x180: {  	[sflag:s0] =	ssyncadd.s32 @!p0 s1  }
0x181: {  	[bflag:$0x3] =	sbarrier.arrive $0xFFFF  }
0x182: {  	_ =	shalt  }

</sc_bundles>
